<compile_context>
chip_gen: v7x
topology: tpu7x:2x2x1
jax: 0.10.2.dev20260603
libtpu: 0.0.44.dev20260713+nightly
codegen_flags: <defaults>
</compile_context>

<pallas_src>
import functools

import jax
import jax.numpy as jnp
from jax import lax
from jax.experimental import pallas as pl
from jax.experimental.pallas import tpu as pltpu
from jax.experimental.pallas import tpu_sc as plsc

B, N, F = 1024, 100, 16
K = 3
H = 32
D = 64
J = 128
NW = 32
NB = B // 16
BPW = NB // NW
CN = N * 16
IN_ = K * N * 16

_DG = functools.partial(
    lax.dot_general, preferred_element_type=jnp.float32)


def _relu(x):
    return jnp.maximum(x, 0.0)


def _sc_knn(etas_hbm, phis_hbm, out_hbm, eta_v, phi_v, idx_v):
    wid = lax.axis_index("s") * 2 + lax.axis_index("c")
    pltpu.sync_copy(etas_hbm.at[pl.ds(wid * BPW * CN, BPW * CN)], eta_v)
    pltpu.sync_copy(phis_hbm.at[pl.ds(wid * BPW * CN, BPW * CN)], phi_v)

    for b in range(BPW):
        cb = b * CN
        ib = b * IN_

        def q_body(q, carry):
            qoff = cb + q * 16
            ve = eta_v[pl.ds(qoff, 16)]
            vp = phi_v[pl.ds(qoff, 16)]

            def cand_body(j, st):
                m1, m2, m3, i1, i2, i3 = st
                joff = cb + j * 16
                ce = eta_v[pl.ds(joff, 16)]
                cp = phi_v[pl.ds(joff, 16)]
                de = ve - ce
                dp = vp - cp
                d2 = de * de + dp * dp
                jv = jnp.full((16,), j.astype(jnp.float32))
                pen = jnp.where(q == j, jnp.float32(1e9), jnp.float32(0.0))
                d2 = d2 + jnp.full((16,), pen)
                c1 = d2 < m1
                c2 = d2 < m2
                c3 = d2 < m3
                m3 = jnp.where(c3, jnp.where(c2, m2, d2), m3)
                i3 = jnp.where(c3, jnp.where(c2, i2, jv), i3)
                m2 = jnp.where(c2, jnp.where(c1, m1, d2), m2)
                i2 = jnp.where(c2, jnp.where(c1, i1, jv), i2)
                m1 = jnp.where(c1, d2, m1)
                i1 = jnp.where(c1, jv, i1)
                return m1, m2, m3, i1, i2, i3

            big = jnp.full((16,), jnp.float32(jnp.inf))
            zero = jnp.zeros((16,), jnp.float32)
            _, _, _, i1, i2, i3 = lax.fori_loop(
                0, N, cand_body, (big, big, big, zero, zero, zero),
                unroll=4)
            qo = ib + q * 16
            idx_v[pl.ds(qo, 16)] = i1
            idx_v[pl.ds(qo + N * 16, 16)] = i2
            idx_v[pl.ds(qo + 2 * N * 16, 16)] = i3
            return carry

        lax.fori_loop(0, N, q_body, 0)
    pltpu.sync_copy(idx_v, out_hbm.at[pl.ds(wid * BPW * IN_, BPW * IN_)])


def _knn_indices(etas_t, phis_t):
    mesh = plsc.VectorSubcoreMesh(core_axis_name="c", subcore_axis_name="s")
    fn = functools.partial(
        pl.kernel, mesh=mesh,
        out_type=jax.ShapeDtypeStruct((NB * IN_,), jnp.float32),
        scratch_types=[
            pltpu.VMEM((BPW * CN,), jnp.float32),
            pltpu.VMEM((BPW * CN,), jnp.float32),
            pltpu.VMEM((BPW * IN_,), jnp.float32),
        ],
    )(_sc_knn)
    return fn(etas_t, phis_t)


def _tc_body(idx_ref, xt_ref, W1cT_ref, W1bT_ref, b1_ref, W2T_ref,
             b2_ref, W3T_ref, b3_ref, Wd1_ref, bd1_ref, Wd2_ref, bd2_ref,
             out_ref):
    iota_n = lax.broadcasted_iota(jnp.int32, (J, N, N), 1).astype(jnp.float32)
    idx = idx_ref[...].transpose(0, 3, 1, 2).reshape(J, K, N)
    xt = xt_ref[...]

    bj = lambda w: jnp.broadcast_to(w[None], (J,) + w.shape)
    W1cT = bj(W1cT_ref[...])
    W1bT = bj(W1bT_ref[...])
    W2T = bj(W2T_ref[...])
    W3T = bj(W3T_ref[...])
    b1 = b1_ref[...][None, :, :]
    b2 = b2_ref[...][None, :, :]
    b3 = b3_ref[...][None, :, :]

    bdims = (((2,), (1,)), ((0,), (0,)))
    A = _DG(W1cT, xt, bdims) + b1
    Bv = _DG(W1bT, xt, bdims)

    pt_sum = jnp.zeros((J, H, N), jnp.float32)
    for k in range(K):
        ohT = (iota_n == idx[:, k, :][:, None, :]).astype(jnp.float32)
        g = _DG(Bv, ohT, bdims)
        h = _relu(A + g)
        h = _relu(_DG(W2T, h, bdims) + b2)
        h = _relu(_DG(W3T, h, bdims) + b3)
        pt_sum = pt_sum + h
    ones_n = jnp.full((J, N, 1), jnp.float32(1.0 / (K * N)))
    pooled = _DG(pt_sum, ones_n, bdims).reshape(J, H)
    o = _relu(jnp.dot(pooled, Wd1_ref[...],
                      preferred_element_type=jnp.float32) + bd1_ref[...])
    o = _relu(jnp.dot(o, Wd2_ref[...],
                      preferred_element_type=jnp.float32) + bd2_ref[...])
    out_ref[...] = o


def kernel(inputs, W1, b1, W2, b2, W3, b3, Wd1, bd1, Wd2, bd2):
    coords = inputs[:, :, 1:3]
    eta_t = coords[:, :, 0].reshape(NB, 16, N).transpose(0, 2, 1).reshape(-1)
    phi_t = coords[:, :, 1].reshape(NB, 16, N).transpose(0, 2, 1).reshape(-1)
    raw = _knn_indices(eta_t, phi_t)
    idx = raw.reshape(NB, K, N, 16)

    xt = inputs.transpose(0, 2, 1)
    W1cT = (W1[:F] - W1[F:]).T
    W1bT = W1[F:].T
    full = lambda shape: pl.BlockSpec(shape, lambda i: (0,) * len(shape))
    out = pl.pallas_call(
        _tc_body,
        grid=(B // J,),
        in_specs=[
            pl.BlockSpec((J // 16, K, N, 16), lambda i: (i, 0, 0, 0)),
            pl.BlockSpec((J, F, N), lambda i: (i, 0, 0)),
            full((H, F)), full((H, F)), full((H, 1)),
            full((H, H)), full((H, 1)),
            full((H, H)), full((H, 1)),
            full((H, D)), full((1, D)),
            full((D, D)), full((1, D)),
        ],
        out_specs=pl.BlockSpec((J, D), lambda i: (i, 0)),
        out_shape=jax.ShapeDtypeStruct((B, D), jnp.float32),
        compiler_params=pltpu.CompilerParams(
            dimension_semantics=("arbitrary",)),
    )(idx, xt, W1cT, W1bT, b1.reshape(H, 1), W2.T, b2.reshape(H, 1),
      W3.T, b3.reshape(H, 1), Wd1, bd1.reshape(1, D), Wd2, bd2.reshape(1, D))
    return out

# --- scband reference (transcript-rebuilt; emitter-appended) ---
"""Pipeline reference for scband-particle-cloud-85383949845315 (READ-ONLY COPY).

The authoritative reference and input builder live on the scoring server;
editing this copy changes nothing except your own understanding.
"""

import jax, jax.numpy as jnp
import numpy as np

B, N, F = 1024, 100, 16
K = 3
H = 32  # mlp hidden / output dim
D = 64  # head dense dim


def _init(k, shape):
    return jax.random.normal(k, shape, dtype=jnp.float32) * (1.0 / np.sqrt(shape[0]))


def setup_inputs(seed: int = 0) -> dict:
    key = jax.random.key(seed)
    ks = jax.random.split(key, 8)
    inputs = jax.random.normal(ks[0], (B, N, F), dtype=jnp.float32)
    W1 = _init(ks[1], (2 * F, H)); b1 = jnp.zeros((H,), jnp.float32)
    W2 = _init(ks[2], (H, H));     b2 = jnp.zeros((H,), jnp.float32)
    W3 = _init(ks[3], (H, H));     b3 = jnp.zeros((H,), jnp.float32)
    Wd1 = _init(ks[4], (H, D));    bd1 = jnp.zeros((D,), jnp.float32)
    Wd2 = _init(ks[5], (D, D));    bd2 = jnp.zeros((D,), jnp.float32)
    return {"inputs": inputs, "W1": W1, "b1": b1, "W2": W2, "b2": b2,
            "W3": W3, "b3": b3, "Wd1": Wd1, "bd1": bd1, "Wd2": Wd2, "bd2": bd2}


def reference(inputs, W1, b1, W2, b2, W3, b3, Wd1, bd1, Wd2, bd2):
    # --- EdgeConvLayer(mlp, mlp_output_dim, k=3, coord_slice=(1,3)) ---
    coords = inputs[:, :, 1:3]                                   # [B,N,2] (eta, phi)
    diff = coords[:, :, None, :] - coords[:, None, :, :]         # [B,N,N,2]
    d2 = jnp.sum(diff * diff, axis=-1)                           # [B,N,N]
    d2 = d2 + jnp.eye(N, dtype=d2.dtype) * 1e9                   # exclude self
    _, idx = jax.lax.top_k(-d2, K)                               # [B,N,K] nearest neighbors
    # gather neighbor features (SparseCore-style gather)
    xj = jax.vmap(lambda xb, ib: jnp.take(xb, ib, axis=0))(inputs, idx)  # [B,N,K,F]
    xi = jnp.broadcast_to(inputs[:, :, None, :], xj.shape)       # [B,N,K,F]
    edge = jnp.concatenate([xi, xj - xi], axis=-1)               # [B,N,K,2F]
    # edge MLP (hidden dims [32,32,32])
    h = jax.nn.relu(edge @ W1 + b1)
    h = jax.nn.relu(h @ W2 + b2)
    h = jax.nn.relu(h @ W3 + b3)                                 # [B,N,K,H]
    point = jnp.mean(h, axis=2)                                  # mean-aggregate over k -> [B,N,H]
    # --- ChannelWiseGlobalAveragePooling ---
    pooled = jnp.mean(point, axis=1)                             # [B,H]
    # --- head: Dense(64) -> dropout(identity at inference) -> ReLU, twice ---
    o = jax.nn.relu(pooled @ Wd1 + bd1)
    o = jax.nn.relu(o @ Wd2 + bd2)                               # [B,64]
    return o

if __name__ == "__main__":
    import jax
    _d = setup_inputs()
    print(jax.jit(kernel)(*tuple(_d.values())))

</pallas_src>

<mosaic_0001>
#map = affine_map<(d0, d1) -> (0)>
module attributes {stable_mosaic.version = 14 : i64} {
  func.func @_sc_knn(%arg0: i32, %arg1: i32, %arg2: memref<102400xf32, #tpu.memory_space<hbm>>, %arg3: memref<102400xf32, #tpu.memory_space<hbm>>, %arg4: memref<307200xf32, #tpu.memory_space<hbm>>, %arg5: memref<3200xf32, #tpu.memory_space<vmem>>, %arg6: memref<3200xf32, #tpu.memory_space<vmem>>, %arg7: memref<9600xf32, #tpu.memory_space<vmem>>) attributes {dimension_semantics = [#tpu.dimension_semantics<core_parallel>, #tpu.dimension_semantics<subcore_parallel>], iteration_bounds = array<i64: 2, 16>, scalar_prefetch = 0 : i64, scratch_operands = 3 : i64, tpu.core_type = #tpu.core_type<sc_vector_subcore>, window_params = [{transform_indices = #map}, {transform_indices = #map}, {transform_indices = #map}]} {
    %mul3A = arith.constant 2 : i32
    %mul3A_0 = arith.muli %arg1, %mul3A : i32
    %add3A = arith.addi %mul3A_0, %arg0 : i32
    %mul3A_1 = arith.constant 2 : i32
    %mul3A_2 = arith.muli %add3A, %mul3A_1 : i32
    %mul3A_3 = arith.constant 1600 : i32
    %mul3A_4 = arith.muli %mul3A_2, %mul3A_3 : i32
    "tpu.region"() ({
      %run_scoped3A = tpu.sem_alloc : memref<!tpu.dma_semaphore, #tpu.memory_space<semaphore_mem>>
      %dma_start3A = tpu.memref_slice %arg2[%mul3A_4] : memref<102400xf32, #tpu.memory_space<hbm>> -> memref<3200xf32, #tpu.memory_space<hbm>>
      %dma_start3A_24 = tpu.memref_slice %arg2[%mul3A_4] : memref<102400xf32, #tpu.memory_space<hbm>> -> memref<3200xf32, #tpu.memory_space<hbm>>
      tpu.enqueue_dma source(%dma_start3A_24 : memref<3200xf32, #tpu.memory_space<hbm>>) target(%arg5 : memref<3200xf32, #tpu.memory_space<vmem>>) target_semaphore(%run_scoped3A : memref<!tpu.dma_semaphore, #tpu.memory_space<semaphore_mem>>)
      %dma_wait3A = tpu.memref_slice %arg2[%mul3A_4] : memref<102400xf32, #tpu.memory_space<hbm>> -> memref<3200xf32, #tpu.memory_space<hbm>>
      %dma_wait3A_25 = tpu.memref_slice %arg2[%mul3A_4] : memref<102400xf32, #tpu.memory_space<hbm>> -> memref<3200xf32, #tpu.memory_space<hbm>>
      tpu.wait_dma2 semaphore(%run_scoped3A : memref<!tpu.dma_semaphore, #tpu.memory_space<semaphore_mem>>) src(%dma_wait3A_25 : memref<3200xf32, #tpu.memory_space<hbm>>) dst(%arg5 : memref<3200xf32, #tpu.memory_space<vmem>>)
      tpu.yield
    }) : () -> ()
    %mul3A_5 = arith.constant 2 : i32
    %mul3A_6 = arith.muli %add3A, %mul3A_5 : i32
    %mul3A_7 = arith.constant 1600 : i32
    %mul3A_8 = arith.muli %mul3A_6, %mul3A_7 : i32
    "tpu.region"() ({
      %run_scoped3A = tpu.sem_alloc : memref<!tpu.dma_semaphore, #tpu.memory_space<semaphore_mem>>
      %dma_start3A = tpu.memref_slice %arg3[%mul3A_8] : memref<102400xf32, #tpu.memory_space<hbm>> -> memref<3200xf32, #tpu.memory_space<hbm>>
      %dma_start3A_24 = tpu.memref_slice %arg3[%mul3A_8] : memref<102400xf32, #tpu.memory_space<hbm>> -> memref<3200xf32, #tpu.memory_space<hbm>>
      tpu.enqueue_dma source(%dma_start3A_24 : memref<3200xf32, #tpu.memory_space<hbm>>) target(%arg6 : memref<3200xf32, #tpu.memory_space<vmem>>) target_semaphore(%run_scoped3A : memref<!tpu.dma_semaphore, #tpu.memory_space<semaphore_mem>>)
      %dma_wait3A = tpu.memref_slice %arg3[%mul3A_8] : memref<102400xf32, #tpu.memory_space<hbm>> -> memref<3200xf32, #tpu.memory_space<hbm>>
      %dma_wait3A_25 = tpu.memref_slice %arg3[%mul3A_8] : memref<102400xf32, #tpu.memory_space<hbm>> -> memref<3200xf32, #tpu.memory_space<hbm>>
      tpu.wait_dma2 semaphore(%run_scoped3A : memref<!tpu.dma_semaphore, #tpu.memory_space<semaphore_mem>>) src(%dma_wait3A_25 : memref<3200xf32, #tpu.memory_space<hbm>>) dst(%arg6 : memref<3200xf32, #tpu.memory_space<vmem>>)
      tpu.yield
    }) : () -> ()
    %scan3A = arith.constant 0 : i32
    %scan3A_9 = arith.constant 0 : i32
    %scan3A_10 = arith.constant 100 : i32
    %scan3A_11 = arith.addi %scan3A_9, %scan3A_10 : i32
    %scan3A_12 = arith.constant 1 : i32
    scf.for %scan3A_24 = %scan3A_9 to %scan3A_11 step %scan3A_12  : i32 {
      %mul3A_25 = arith.constant 16 : i32
      %mul3A_26 = arith.muli %scan3A_24, %mul3A_25 : i32
      %add3A_27 = arith.constant 0 : i32
      %add3A_28 = arith.addi %add3A_27, %mul3A_26 : i32
      %get3A = arith.index_cast %add3A_28 : i32 to index
      %get3A_29 = tpu.vector_load %arg5[%get3A] {strides = array<i32>} : memref<3200xf32, #tpu.memory_space<vmem>>, vector<16xf32>,
      %get3A_30 = vector.shape_cast %get3A_29 : vector<16xf32> to vector<16xf32>
      %get3A_31 = arith.index_cast %add3A_28 : i32 to index
      %get3A_32 = tpu.vector_load %arg6[%get3A_31] {strides = array<i32>} : memref<3200xf32, #tpu.memory_space<vmem>>, vector<16xf32>,
      %get3A_33 = vector.shape_cast %get3A_32 : vector<16xf32> to vector<16xf32>
      %broadcast_in_dim3A = arith.constant 0x7F800000 : f32
      %broadcast_in_dim3A_34 = vector.broadcast %broadcast_in_dim3A : f32 to vector<16xf32>
      %broadcast_in_dim3A_35 = arith.constant 0.000000e+00 : f32
      %broadcast_in_dim3A_36 = vector.broadcast %broadcast_in_dim3A_35 : f32 to vector<16xf32>
      %scan3A_37 = arith.constant 0 : i32
      %scan3A_38 = arith.constant 100 : i32
      %scan3A_39 = arith.addi %scan3A_37, %scan3A_38 : i32
      %scan3A_40 = arith.constant 4 : i32
      %scan3A_41:6 = scf.for %scan3A_62 = %scan3A_37 to %scan3A_39 step %scan3A_40 iter_args(%scan3A_63 = %broadcast_in_dim3A_34, %scan3A_64 = %broadcast_in_dim3A_34, %scan3A_65 = %broadcast_in_dim3A_34, %scan3A_66 = %broadcast_in_dim3A_36, %scan3A_67 = %broadcast_in_dim3A_36, %scan3A_68 = %broadcast_in_dim3A_36) -> (vector<16xf32>, vector<16xf32>, vector<16xf32>, vector<16xf32>, vector<16xf32>, vector<16xf32>)  : i32 {
        %mul3A_69 = arith.constant 16 : i32
        %mul3A_70 = arith.muli %scan3A_62, %mul3A_69 : i32
        %add3A_71 = arith.constant 0 : i32
        %add3A_72 = arith.addi %add3A_71, %mul3A_70 : i32
        %get3A_73 = arith.index_cast %add3A_72 : i32 to index
        %get3A_74 = tpu.vector_load %arg5[%get3A_73] {strides = array<i32>} : memref<3200xf32, #tpu.memory_space<vmem>>, vector<16xf32>,
        %get3A_75 = vector.shape_cast %get3A_74 : vector<16xf32> to vector<16xf32>
        %get3A_76 = arith.index_cast %add3A_72 : i32 to index
        %get3A_77 = tpu.vector_load %arg6[%get3A_76] {strides = array<i32>} : memref<3200xf32, #tpu.memory_space<vmem>>, vector<16xf32>,
        %get3A_78 = vector.shape_cast %get3A_77 : vector<16xf32> to vector<16xf32>
        %sub3A = arith.subf %get3A_30, %get3A_75 : vector<16xf32>
        %sub3A_79 = arith.subf %get3A_33, %get3A_78 : vector<16xf32>
        %mul3A_80 = arith.mulf %sub3A, %sub3A : vector<16xf32>
        %mul3A_81 = arith.mulf %sub3A_79, %sub3A_79 : vector<16xf32>
        %add3A_82 = arith.addf %mul3A_80, %mul3A_81 : vector<16xf32>
        %convert_element_type3A = arith.sitofp %scan3A_62 : i32 to f32
        %broadcast_in_dim3A_83 = vector.broadcast %convert_element_type3A : f32 to vector<16xf32>
        %eq3A = arith.cmpi eq, %scan3A_24, %scan3A_62 : i32
        %jit3A = arith.constant 1.000000e+09 : f32
        %jit3A_84 = arith.constant 0.000000e+00 : f32
        %select_n3A = arith.select %eq3A, %jit3A, %jit3A_84 : f32
        %broadcast_in_dim3A_85 = vector.broadcast %select_n3A : f32 to vector<16xf32>
        %add3A_86 = arith.addf %add3A_82, %broadcast_in_dim3A_85 : vector<16xf32>
        %lt3A = arith.cmpf olt, %add3A_86, %scan3A_63 : vector<16xf32>
        %lt3A_87 = arith.cmpf olt, %add3A_86, %scan3A_64 : vector<16xf32>
        %lt3A_88 = arith.cmpf olt, %add3A_86, %scan3A_65 : vector<16xf32>
        %select_n3A_89 = arith.select %lt3A_87, %scan3A_64, %add3A_86 : vector<16xi1>, vector<16xf32>
        %select_n3A_90 = arith.select %lt3A_88, %select_n3A_89, %scan3A_65 : vector<16xi1>, vector<16xf32>
        %select_n3A_91 = arith.select %lt3A_87, %scan3A_67, %broadcast_in_dim3A_83 : vector<16xi1>, vector<16xf32>
        %select_n3A_92 = arith.select %lt3A_88, %select_n3A_91, %scan3A_68 : vector<16xi1>, vector<16xf32>
        %select_n3A_93 = arith.select %lt3A, %scan3A_63, %add3A_86 : vector<16xi1>, vector<16xf32>
        %select_n3A_94 = arith.select %lt3A_87, %select_n3A_93, %scan3A_64 : vector<16xi1>, vector<16xf32>
        %select_n3A_95 = arith.select %lt3A, %scan3A_66, %broadcast_in_dim3A_83 : vector<16xi1>, vector<16xf32>
        %select_n3A_96 = arith.select %lt3A_87, %select_n3A_95, %scan3A_67 : vector<16xi1>, vector<16xf32>
        %select_n3A_97 = arith.select %lt3A, %add3A_86, %scan3A_63 : vector<16xi1>, vector<16xf32>
        %select_n3A_98 = arith.select %lt3A, %broadcast_in_dim3A_83, %scan3A_66 : vector<16xi1>, vector<16xf32>
        %scan3A_99 = arith.constant 1 : i32
        %scan3A_100 = arith.addi %scan3A_62, %scan3A_99 : i32
        %mul3A_101 = arith.constant 16 : i32
        %mul3A_102 = arith.muli %scan3A_100, %mul3A_101 : i32
        %add3A_103 = arith.constant 0 : i32
        %add3A_104 = arith.addi %add3A_103, %mul3A_102 : i32
        %get3A_105 = arith.index_cast %add3A_104 : i32 to index
        %get3A_106 = tpu.vector_load %arg5[%get3A_105] {strides = array<i32>} : memref<3200xf32, #tpu.memory_space<vmem>>, vector<16xf32>,
        %get3A_107 = vector.shape_cast %get3A_106 : vector<16xf32> to vector<16xf32>
        %get3A_108 = arith.index_cast %add3A_104 : i32 to index
        %get3A_109 = tpu.vector_load %arg6[%get3A_108] {strides = array<i32>} : memref<3200xf32, #tpu.memory_space<vmem>>, vector<16xf32>,
        %get3A_110 = vector.shape_cast %get3A_109 : vector<16xf32> to vector<16xf32>
        %sub3A_111 = arith.subf %get3A_30, %get3A_107 : vector<16xf32>
        %sub3A_112 = arith.subf %get3A_33, %get3A_110 : vector<16xf32>
        %mul3A_113 = arith.mulf %sub3A_111, %sub3A_111 : vector<16xf32>
        %mul3A_114 = arith.mulf %sub3A_112, %sub3A_112 : vector<16xf32>
        %add3A_115 = arith.addf %mul3A_113, %mul3A_114 : vector<16xf32>
        %convert_element_type3A_116 = arith.sitofp %scan3A_100 : i32 to f32
        %broadcast_in_dim3A_117 = vector.broadcast %convert_element_type3A_116 : f32 to vector<16xf32>
        %eq3A_118 = arith.cmpi eq, %scan3A_24, %scan3A_100 : i32
        %jit3A_119 = arith.constant 1.000000e+09 : f32
        %jit3A_120 = arith.constant 0.000000e+00 : f32
        %select_n3A_121 = arith.select %eq3A_118, %jit3A_119, %jit3A_120 : f32
        %broadcast_in_dim3A_122 = vector.broadcast %select_n3A_121 : f32 to vector<16xf32>
        %add3A_123 = arith.addf %add3A_115, %broadcast_in_dim3A_122 : vector<16xf32>
        %lt3A_124 = arith.cmpf olt, %add3A_123, %select_n3A_97 : vector<16xf32>
        %lt3A_125 = arith.cmpf olt, %add3A_123, %select_n3A_94 : vector<16xf32>
        %lt3A_126 = arith.cmpf olt, %add3A_123, %select_n3A_90 : vector<16xf32>
        %select_n3A_127 = arith.select %lt3A_125, %select_n3A_94, %add3A_123 : vector<16xi1>, vector<16xf32>
        %select_n3A_128 = arith.select %lt3A_126, %select_n3A_127, %select_n3A_90 : vector<16xi1>, vector<16xf32>
        %select_n3A_129 = arith.select %lt3A_125, %select_n3A_96, %broadcast_in_dim3A_117 : vector<16xi1>, vector<16xf32>
        %select_n3A_130 = arith.select %lt3A_126, %select_n3A_129, %select_n3A_92 : vector<16xi1>, vector<16xf32>
        %select_n3A_131 = arith.select %lt3A_124, %select_n3A_97, %add3A_123 : vector<16xi1>, vector<16xf32>
        %select_n3A_132 = arith.select %lt3A_125, %select_n3A_131, %select_n3A_94 : vector<16xi1>, vector<16xf32>
        %select_n3A_133 = arith.select %lt3A_124, %select_n3A_98, %broadcast_in_dim3A_117 : vector<16xi1>, vector<16xf32>
        %select_n3A_134 = arith.select %lt3A_125, %select_n3A_133, %select_n3A_96 : vector<16xi1>, vector<16xf32>
        %select_n3A_135 = arith.select %lt3A_124, %add3A_123, %select_n3A_97 : vector<16xi1>, vector<16xf32>
        %select_n3A_136 = arith.select %lt3A_124, %broadcast_in_dim3A_117, %select_n3A_98 : vector<16xi1>, vector<16xf32>
        %scan3A_137 = arith.constant 2 : i32
        %scan3A_138 = arith.addi %scan3A_62, %scan3A_137 : i32
        %mul3A_139 = arith.constant 16 : i32
        %mul3A_140 = arith.muli %scan3A_138, %mul3A_139 : i32
        %add3A_141 = arith.constant 0 : i32
        %add3A_142 = arith.addi %add3A_141, %mul3A_140 : i32
        %get3A_143 = arith.index_cast %add3A_142 : i32 to index
        %get3A_144 = tpu.vector_load %arg5[%get3A_143] {strides = array<i32>} : memref<3200xf32, #tpu.memory_space<vmem>>, vector<16xf32>,
        %get3A_145 = vector.shape_cast %get3A_144 : vector<16xf32> to vector<16xf32>
        %get3A_146 = arith.index_cast %add3A_142 : i32 to index
        %get3A_147 = tpu.vector_load %arg6[%get3A_146] {strides = array<i32>} : memref<3200xf32, #tpu.memory_space<vmem>>, vector<16xf32>,
        %get3A_148 = vector.shape_cast %get3A_147 : vector<16xf32> to vector<16xf32>
        %sub3A_149 = arith.subf %get3A_30, %get3A_145 : vector<16xf32>
        %sub3A_150 = arith.subf %get3A_33, %get3A_148 : vector<16xf32>
        %mul3A_151 = arith.mulf %sub3A_149, %sub3A_149 : vector<16xf32>
        %mul3A_152 = arith.mulf %sub3A_150, %sub3A_150 : vector<16xf32>
        %add3A_153 = arith.addf %mul3A_151, %mul3A_152 : vector<16xf32>
        %convert_element_type3A_154 = arith.sitofp %scan3A_138 : i32 to f32
        %broadcast_in_dim3A_155 = vector.broadcast %convert_element_type3A_154 : f32 to vector<16xf32>
        %eq3A_156 = arith.cmpi eq, %scan3A_24, %scan3A_138 : i32
        %jit3A_157 = arith.constant 1.000000e+09 : f32
        %jit3A_158 = arith.constant 0.000000e+00 : f32
        %select_n3A_159 = arith.select %eq3A_156, %jit3A_157, %jit3A_158 : f32
        %broadcast_in_dim3A_160 = vector.broadcast %select_n3A_159 : f32 to vector<16xf32>
        %add3A_161 = arith.addf %add3A_153, %broadcast_in_dim3A_160 : vector<16xf32>
        %lt3A_162 = arith.cmpf olt, %add3A_161, %select_n3A_135 : vector<16xf32>
        %lt3A_163 = arith.cmpf olt, %add3A_161, %select_n3A_132 : vector<16xf32>
        %lt3A_164 = arith.cmpf olt, %add3A_161, %select_n3A_128 : vector<16xf32>
        %select_n3A_165 = arith.select %lt3A_163, %select_n3A_132, %add3A_161 : vector<16xi1>, vector<16xf32>
        %select_n3A_166 = arith.select %lt3A_164, %select_n3A_165, %select_n3A_128 : vector<16xi1>, vector<16xf32>
        %select_n3A_167 = arith.select %lt3A_163, %select_n3A_134, %broadcast_in_dim3A_155 : vector<16xi1>, vector<16xf32>
        %select_n3A_168 = arith.select %lt3A_164, %select_n3A_167, %select_n3A_130 : vector<16xi1>, vector<16xf32>
        %select_n3A_169 = arith.select %lt3A_162, %select_n3A_135, %add3A_161 : vector<16xi1>, vector<16xf32>
        %select_n3A_170 = arith.select %lt3A_163, %select_n3A_169, %select_n3A_132 : vector<16xi1>, vector<16xf32>
        %select_n3A_171 = arith.select %lt3A_162, %select_n3A_136, %broadcast_in_dim3A_155 : vector<16xi1>, vector<16xf32>
        %select_n3A_172 = arith.select %lt3A_163, %select_n3A_171, %select_n3A_134 : vector<16xi1>, vector<16xf32>
        %select_n3A_173 = arith.select %lt3A_162, %add3A_161, %select_n3A_135 : vector<16xi1>, vector<16xf32>
        %select_n3A_174 = arith.select %lt3A_162, %broadcast_in_dim3A_155, %select_n3A_136 : vector<16xi1>, vector<16xf32>
        %scan3A_175 = arith.constant 3 : i32
        %scan3A_176 = arith.addi %scan3A_62, %scan3A_175 : i32
        %mul3A_177 = arith.constant 16 : i32
        %mul3A_178 = arith.muli %scan3A_176, %mul3A_177 : i32
        %add3A_179 = arith.constant 0 : i32
        %add3A_180 = arith.addi %add3A_179, %mul3A_178 : i32
        %get3A_181 = arith.index_cast %add3A_180 : i32 to index
        %get3A_182 = tpu.vector_load %arg5[%get3A_181] {strides = array<i32>} : memref<3200xf32, #tpu.memory_space<vmem>>, vector<16xf32>,
        %get3A_183 = vector.shape_cast %get3A_182 : vector<16xf32> to vector<16xf32>
        %get3A_184 = arith.index_cast %add3A_180 : i32 to index
        %get3A_185 = tpu.vector_load %arg6[%get3A_184] {strides = array<i32>} : memref<3200xf32, #tpu.memory_space<vmem>>, vector<16xf32>,
        %get3A_186 = vector.shape_cast %get3A_185 : vector<16xf32> to vector<16xf32>
        %sub3A_187 = arith.subf %get3A_30, %get3A_183 : vector<16xf32>
        %sub3A_188 = arith.subf %get3A_33, %get3A_186 : vector<16xf32>
        %mul3A_189 = arith.mulf %sub3A_187, %sub3A_187 : vector<16xf32>
        %mul3A_190 = arith.mulf %sub3A_188, %sub3A_188 : vector<16xf32>
        %add3A_191 = arith.addf %mul3A_189, %mul3A_190 : vector<16xf32>
        %convert_element_type3A_192 = arith.sitofp %scan3A_176 : i32 to f32
        %broadcast_in_dim3A_193 = vector.broadcast %convert_element_type3A_192 : f32 to vector<16xf32>
        %eq3A_194 = arith.cmpi eq, %scan3A_24, %scan3A_176 : i32
        %jit3A_195 = arith.constant 1.000000e+09 : f32
        %jit3A_196 = arith.constant 0.000000e+00 : f32
        %select_n3A_197 = arith.select %eq3A_194, %jit3A_195, %jit3A_196 : f32
        %broadcast_in_dim3A_198 = vector.broadcast %select_n3A_197 : f32 to vector<16xf32>
        %add3A_199 = arith.addf %add3A_191, %broadcast_in_dim3A_198 : vector<16xf32>
        %lt3A_200 = arith.cmpf olt, %add3A_199, %select_n3A_173 : vector<16xf32>
        %lt3A_201 = arith.cmpf olt, %add3A_199, %select_n3A_170 : vector<16xf32>
        %lt3A_202 = arith.cmpf olt, %add3A_199, %select_n3A_166 : vector<16xf32>
        %select_n3A_203 = arith.select %lt3A_201, %select_n3A_170, %add3A_199 : vector<16xi1>, vector<16xf32>
        %select_n3A_204 = arith.select %lt3A_202, %select_n3A_203, %select_n3A_166 : vector<16xi1>, vector<16xf32>
        %select_n3A_205 = arith.select %lt3A_201, %select_n3A_172, %broadcast_in_dim3A_193 : vector<16xi1>, vector<16xf32>
        %select_n3A_206 = arith.select %lt3A_202, %select_n3A_205, %select_n3A_168 : vector<16xi1>, vector<16xf32>
        %select_n3A_207 = arith.select %lt3A_200, %select_n3A_173, %add3A_199 : vector<16xi1>, vector<16xf32>
        %select_n3A_208 = arith.select %lt3A_201, %select_n3A_207, %select_n3A_170 : vector<16xi1>, vector<16xf32>
        %select_n3A_209 = arith.select %lt3A_200, %select_n3A_174, %broadcast_in_dim3A_193 : vector<16xi1>, vector<16xf32>
        %select_n3A_210 = arith.select %lt3A_201, %select_n3A_209, %select_n3A_172 : vector<16xi1>, vector<16xf32>
        %select_n3A_211 = arith.select %lt3A_200, %add3A_199, %select_n3A_173 : vector<16xi1>, vector<16xf32>
        %select_n3A_212 = arith.select %lt3A_200, %broadcast_in_dim3A_193, %select_n3A_174 : vector<16xi1>, vector<16xf32>
        scf.yield %select_n3A_211, %select_n3A_208, %select_n3A_204, %select_n3A_212, %select_n3A_210, %select_n3A_206 : vector<16xf32>, vector<16xf32>, vector<16xf32>, vector<16xf32>, vector<16xf32>, vector<16xf32>
      }
      %scan3A_42 = arith.constant 100 : i32
      %mul3A_43 = arith.constant 16 : i32
      %mul3A_44 = arith.muli %scan3A_24, %mul3A_43 : i32
      %add3A_45 = arith.constant 0 : i32
      %add3A_46 = arith.addi %add3A_45, %mul3A_44 : i32
      %swap3A = arith.index_cast %add3A_46 : i32 to index
      %swap3A_47 = tpu.vector_load %arg7[%swap3A] {strides = array<i32>} : memref<9600xf32, #tpu.memory_space<vmem>>, vector<16xf32>,
      %swap3A_48 = vector.shape_cast %swap3A_47 : vector<16xf32> to vector<16xf32>
      %swap3A_49 = vector.shape_cast %scan3A_41#3 : vector<16xf32> to vector<16xf32>
      tpu.vector_store %arg7[%swap3A], %swap3A_49 {strides = array<i32>} : memref<9600xf32, #tpu.memory_space<vmem>>, vector<16xf32>,
      %add3A_50 = arith.constant 1600 : i32
      %add3A_51 = arith.addi %add3A_46, %add3A_50 : i32
      %swap3A_52 = arith.index_cast %add3A_51 : i32 to index
      %swap3A_53 = tpu.vector_load %arg7[%swap3A_52] {strides = array<i32>} : memref<9600xf32, #tpu.memory_space<vmem>>, vector<16xf32>,
      %swap3A_54 = vector.shape_cast %swap3A_53 : vector<16xf32> to vector<16xf32>
      %swap3A_55 = vector.shape_cast %scan3A_41#4 : vector<16xf32> to vector<16xf32>
      tpu.vector_store %arg7[%swap3A_52], %swap3A_55 {strides = array<i32>} : memref<9600xf32, #tpu.memory_space<vmem>>, vector<16xf32>,
      %add3A_56 = arith.constant 3200 : i32
      %add3A_57 = arith.addi %add3A_46, %add3A_56 : i32
      %swap3A_58 = arith.index_cast %add3A_57 : i32 to index
      %swap3A_59 = tpu.vector_load %arg7[%swap3A_58] {strides = array<i32>} : memref<9600xf32, #tpu.memory_space<vmem>>, vector<16xf32>,
      %swap3A_60 = vector.shape_cast %swap3A_59 : vector<16xf32> to vector<16xf32>
      %swap3A_61 = vector.shape_cast %scan3A_41#5 : vector<16xf32> to vector<16xf32>
      tpu.vector_store %arg7[%swap3A_58], %swap3A_61 {strides = array<i32>} : memref<9600xf32, #tpu.memory_space<vmem>>, vector<16xf32>,
    }
    %scan3A_13 = arith.constant 100 : i32
    %scan3A_14 = arith.constant 0 : i32
    %scan3A_15 = arith.constant 0 : i32
    %scan3A_16 = arith.constant 100 : i32
    %scan3A_17 = arith.addi %scan3A_15, %scan3A_16 : i32
    %scan3A_18 = arith.constant 1 : i32
    scf.for %scan3A_24 = %scan3A_15 to %scan3A_17 step %scan3A_18  : i32 {
      %mul3A_25 = arith.constant 16 : i32
      %mul3A_26 = arith.muli %scan3A_24, %mul3A_25 : i32
      %add3A_27 = arith.constant 1600 : i32
      %add3A_28 = arith.addi %add3A_27, %mul3A_26 : i32
      %get3A = arith.index_cast %add3A_28 : i32 to index
      %get3A_29 = tpu.vector_load %arg5[%get3A] {strides = array<i32>} : memref<3200xf32, #tpu.memory_space<vmem>>, vector<16xf32>,
      %get3A_30 = vector.shape_cast %get3A_29 : vector<16xf32> to vector<16xf32>
      %get3A_31 = arith.index_cast %add3A_28 : i32 to index
      %get3A_32 = tpu.vector_load %arg6[%get3A_31] {strides = array<i32>} : memref<3200xf32, #tpu.memory_space<vmem>>, vector<16xf32>,
      %get3A_33 = vector.shape_cast %get3A_32 : vector<16xf32> to vector<16xf32>
      %broadcast_in_dim3A = arith.constant 0x7F800000 : f32
      %broadcast_in_dim3A_34 = vector.broadcast %broadcast_in_dim3A : f32 to vector<16xf32>
      %broadcast_in_dim3A_35 = arith.constant 0.000000e+00 : f32
      %broadcast_in_dim3A_36 = vector.broadcast %broadcast_in_dim3A_35 : f32 to vector<16xf32>
      %scan3A_37 = arith.constant 0 : i32
      %scan3A_38 = arith.constant 100 : i32
      %scan3A_39 = arith.addi %scan3A_37, %scan3A_38 : i32
      %scan3A_40 = arith.constant 4 : i32
      %scan3A_41:6 = scf.for %scan3A_62 = %scan3A_37 to %scan3A_39 step %scan3A_40 iter_args(%scan3A_63 = %broadcast_in_dim3A_34, %scan3A_64 = %broadcast_in_dim3A_34, %scan3A_65 = %broadcast_in_dim3A_34, %scan3A_66 = %broadcast_in_dim3A_36, %scan3A_67 = %broadcast_in_dim3A_36, %scan3A_68 = %broadcast_in_dim3A_36) -> (vector<16xf32>, vector<16xf32>, vector<16xf32>, vector<16xf32>, vector<16xf32>, vector<16xf32>)  : i32 {
        %mul3A_69 = arith.constant 16 : i32
        %mul3A_70 = arith.muli %scan3A_62, %mul3A_69 : i32
        %add3A_71 = arith.constant 1600 : i32
        %add3A_72 = arith.addi %add3A_71, %mul3A_70 : i32
        %get3A_73 = arith.index_cast %add3A_72 : i32 to index
        %get3A_74 = tpu.vector_load %arg5[%get3A_73] {strides = array<i32>} : memref<3200xf32, #tpu.memory_space<vmem>>, vector<16xf32>,
        %get3A_75 = vector.shape_cast %get3A_74 : vector<16xf32> to vector<16xf32>
        %get3A_76 = arith.index_cast %add3A_72 : i32 to index
        %get3A_77 = tpu.vector_load %arg6[%get3A_76] {strides = array<i32>} : memref<3200xf32, #tpu.memory_space<vmem>>, vector<16xf32>,
        %get3A_78 = vector.shape_cast %get3A_77 : vector<16xf32> to vector<16xf32>
        %sub3A = arith.subf %get3A_30, %get3A_75 : vector<16xf32>
        %sub3A_79 = arith.subf %get3A_33, %get3A_78 : vector<16xf32>
        %mul3A_80 = arith.mulf %sub3A, %sub3A : vector<16xf32>
        %mul3A_81 = arith.mulf %sub3A_79, %sub3A_79 : vector<16xf32>
        %add3A_82 = arith.addf %mul3A_80, %mul3A_81 : vector<16xf32>
        %convert_element_type3A = arith.sitofp %scan3A_62 : i32 to f32
        %broadcast_in_dim3A_83 = vector.broadcast %convert_element_type3A : f32 to vector<16xf32>
        %eq3A = arith.cmpi eq, %scan3A_24, %scan3A_62 : i32
        %jit3A = arith.constant 1.000000e+09 : f32
        %jit3A_84 = arith.constant 0.000000e+00 : f32
        %select_n3A = arith.select %eq3A, %jit3A, %jit3A_84 : f32
        %broadcast_in_dim3A_85 = vector.broadcast %select_n3A : f32 to vector<16xf32>
        %add3A_86 = arith.addf %add3A_82, %broadcast_in_dim3A_85 : vector<16xf32>
        %lt3A = arith.cmpf olt, %add3A_86, %scan3A_63 : vector<16xf32>
        %lt3A_87 = arith.cmpf olt, %add3A_86, %scan3A_64 : vector<16xf32>
        %lt3A_88 = arith.cmpf olt, %add3A_86, %scan3A_65 : vector<16xf32>
        %select_n3A_89 = arith.select %lt3A_87, %scan3A_64, %add3A_86 : vector<16xi1>, vector<16xf32>
        %select_n3A_90 = arith.select %lt3A_88, %select_n3A_89, %scan3A_65 : vector<16xi1>, vector<16xf32>
        %select_n3A_91 = arith.select %lt3A_87, %scan3A_67, %broadcast_in_dim3A_83 : vector<16xi1>, vector<16xf32>
        %select_n3A_92 = arith.select %lt3A_88, %select_n3A_91, %scan3A_68 : vector<16xi1>, vector<16xf32>
        %select_n3A_93 = arith.select %lt3A, %scan3A_63, %add3A_86 : vector<16xi1>, vector<16xf32>
        %select_n3A_94 = arith.select %lt3A_87, %select_n3A_93, %scan3A_64 : vector<16xi1>, vector<16xf32>
        %select_n3A_95 = arith.select %lt3A, %scan3A_66, %broadcast_in_dim3A_83 : vector<16xi1>, vector<16xf32>
        %select_n3A_96 = arith.select %lt3A_87, %select_n3A_95, %scan3A_67 : vector<16xi1>, vector<16xf32>
        %select_n3A_97 = arith.select %lt3A, %add3A_86, %scan3A_63 : vector<16xi1>, vector<16xf32>
        %select_n3A_98 = arith.select %lt3A, %broadcast_in_dim3A_83, %scan3A_66 : vector<16xi1>, vector<16xf32>
        %scan3A_99 = arith.constant 1 : i32
        %scan3A_100 = arith.addi %scan3A_62, %scan3A_99 : i32
        %mul3A_101 = arith.constant 16 : i32
        %mul3A_102 = arith.muli %scan3A_100, %mul3A_101 : i32
        %add3A_103 = arith.constant 1600 : i32
        %add3A_104 = arith.addi %add3A_103, %mul3A_102 : i32
        %get3A_105 = arith.index_cast %add3A_104 : i32 to index
        %get3A_106 = tpu.vector_load %arg5[%get3A_105] {strides = array<i32>} : memref<3200xf32, #tpu.memory_space<vmem>>, vector<16xf32>,
        %get3A_107 = vector.shape_cast %get3A_106 : vector<16xf32> to vector<16xf32>
        %get3A_108 = arith.index_cast %add3A_104 : i32 to index
        %get3A_109 = tpu.vector_load %arg6[%get3A_108] {strides = array<i32>} : memref<3200xf32, #tpu.memory_space<vmem>>, vector<16xf32>,
        %get3A_110 = vector.shape_cast %get3A_109 : vector<16xf32> to vector<16xf32>
        %sub3A_111 = arith.subf %get3A_30, %get3A_107 : vector<16xf32>
        %sub3A_112 = arith.subf %get3A_33, %get3A_110 : vector<16xf32>
        %mul3A_113 = arith.mulf %sub3A_111, %sub3A_111 : vector<16xf32>
        %mul3A_114 = arith.mulf %sub3A_112, %sub3A_112 : vector<16xf32>
        %add3A_115 = arith.addf %mul3A_113, %mul3A_114 : vector<16xf32>
        %convert_element_type3A_116 = arith.sitofp %scan3A_100 : i32 to f32
        %broadcast_in_dim3A_117 = vector.broadcast %convert_element_type3A_116 : f32 to vector<16xf32>
        %eq3A_118 = arith.cmpi eq, %scan3A_24, %scan3A_100 : i32
        %jit3A_119 = arith.constant 1.000000e+09 : f32
        %jit3A_120 = arith.constant 0.000000e+00 : f32
        %select_n3A_121 = arith.select %eq3A_118, %jit3A_119, %jit3A_120 : f32
        %broadcast_in_dim3A_122 = vector.broadcast %select_n3A_121 : f32 to vector<16xf32>
        %add3A_123 = arith.addf %add3A_115, %broadcast_in_dim3A_122 : vector<16xf32>
        %lt3A_124 = arith.cmpf olt, %add3A_123, %select_n3A_97 : vector<16xf32>
        %lt3A_125 = arith.cmpf olt, %add3A_123, %select_n3A_94 : vector<16xf32>
        %lt3A_126 = arith.cmpf olt, %add3A_123, %select_n3A_90 : vector<16xf32>
        %select_n3A_127 = arith.select %lt3A_125, %select_n3A_94, %add3A_123 : vector<16xi1>, vector<16xf32>
        %select_n3A_128 = arith.select %lt3A_126, %select_n3A_127, %select_n3A_90 : vector<16xi1>, vector<16xf32>
        %select_n3A_129 = arith.select %lt3A_125, %select_n3A_96, %broadcast_in_dim3A_117 : vector<16xi1>, vector<16xf32>
        %select_n3A_130 = arith.select %lt3A_126, %select_n3A_129, %select_n3A_92 : vector<16xi1>, vector<16xf32>
        %select_n3A_131 = arith.select %lt3A_124, %select_n3A_97, %add3A_123 : vector<16xi1>, vector<16xf32>
        %select_n3A_132 = arith.select %lt3A_125, %select_n3A_131, %select_n3A_94 : vector<16xi1>, vector<16xf32>
        %select_n3A_133 = arith.select %lt3A_124, %select_n3A_98, %broadcast_in_dim3A_117 : vector<16xi1>, vector<16xf32>
        %select_n3A_134 = arith.select %lt3A_125, %select_n3A_133, %select_n3A_96 : vector<16xi1>, vector<16xf32>
        %select_n3A_135 = arith.select %lt3A_124, %add3A_123, %select_n3A_97 : vector<16xi1>, vector<16xf32>
        %select_n3A_136 = arith.select %lt3A_124, %broadcast_in_dim3A_117, %select_n3A_98 : vector<16xi1>, vector<16xf32>
        %scan3A_137 = arith.constant 2 : i32
        %scan3A_138 = arith.addi %scan3A_62, %scan3A_137 : i32
        %mul3A_139 = arith.constant 16 : i32
        %mul3A_140 = arith.muli %scan3A_138, %mul3A_139 : i32
        %add3A_141 = arith.constant 1600 : i32
        %add3A_142 = arith.addi %add3A_141, %mul3A_140 : i32
        %get3A_143 = arith.index_cast %add3A_142 : i32 to index
        %get3A_144 = tpu.vector_load %arg5[%get3A_143] {strides = array<i32>} : memref<3200xf32, #tpu.memory_space<vmem>>, vector<16xf32>,
        %get3A_145 = vector.shape_cast %get3A_144 : vector<16xf32> to vector<16xf32>
        %get3A_146 = arith.index_cast %add3A_142 : i32 to index
        %get3A_147 = tpu.vector_load %arg6[%get3A_146] {strides = array<i32>} : memref<3200xf32, #tpu.memory_space<vmem>>, vector<16xf32>,
        %get3A_148 = vector.shape_cast %get3A_147 : vector<16xf32> to vector<16xf32>
        %sub3A_149 = arith.subf %get3A_30, %get3A_145 : vector<16xf32>
        %sub3A_150 = arith.subf %get3A_33, %get3A_148 : vector<16xf32>
        %mul3A_151 = arith.mulf %sub3A_149, %sub3A_149 : vector<16xf32>
        %mul3A_152 = arith.mulf %sub3A_150, %sub3A_150 : vector<16xf32>
        %add3A_153 = arith.addf %mul3A_151, %mul3A_152 : vector<16xf32>
        %convert_element_type3A_154 = arith.sitofp %scan3A_138 : i32 to f32
        %broadcast_in_dim3A_155 = vector.broadcast %convert_element_type3A_154 : f32 to vector<16xf32>
        %eq3A_156 = arith.cmpi eq, %scan3A_24, %scan3A_138 : i32
        %jit3A_157 = arith.constant 1.000000e+09 : f32
        %jit3A_158 = arith.constant 0.000000e+00 : f32
        %select_n3A_159 = arith.select %eq3A_156, %jit3A_157, %jit3A_158 : f32
        %broadcast_in_dim3A_160 = vector.broadcast %select_n3A_159 : f32 to vector<16xf32>
        %add3A_161 = arith.addf %add3A_153, %broadcast_in_dim3A_160 : vector<16xf32>
        %lt3A_162 = arith.cmpf olt, %add3A_161, %select_n3A_135 : vector<16xf32>
        %lt3A_163 = arith.cmpf olt, %add3A_161, %select_n3A_132 : vector<16xf32>
        %lt3A_164 = arith.cmpf olt, %add3A_161, %select_n3A_128 : vector<16xf32>
        %select_n3A_165 = arith.select %lt3A_163, %select_n3A_132, %add3A_161 : vector<16xi1>, vector<16xf32>
        %select_n3A_166 = arith.select %lt3A_164, %select_n3A_165, %select_n3A_128 : vector<16xi1>, vector<16xf32>
        %select_n3A_167 = arith.select %lt3A_163, %select_n3A_134, %broadcast_in_dim3A_155 : vector<16xi1>, vector<16xf32>
        %select_n3A_168 = arith.select %lt3A_164, %select_n3A_167, %select_n3A_130 : vector<16xi1>, vector<16xf32>
        %select_n3A_169 = arith.select %lt3A_162, %select_n3A_135, %add3A_161 : vector<16xi1>, vector<16xf32>
        %select_n3A_170 = arith.select %lt3A_163, %select_n3A_169, %select_n3A_132 : vector<16xi1>, vector<16xf32>
        %select_n3A_171 = arith.select %lt3A_162, %select_n3A_136, %broadcast_in_dim3A_155 : vector<16xi1>, vector<16xf32>
        %select_n3A_172 = arith.select %lt3A_163, %select_n3A_171, %select_n3A_134 : vector<16xi1>, vector<16xf32>
        %select_n3A_173 = arith.select %lt3A_162, %add3A_161, %select_n3A_135 : vector<16xi1>, vector<16xf32>
        %select_n3A_174 = arith.select %lt3A_162, %broadcast_in_dim3A_155, %select_n3A_136 : vector<16xi1>, vector<16xf32>
        %scan3A_175 = arith.constant 3 : i32
        %scan3A_176 = arith.addi %scan3A_62, %scan3A_175 : i32
        %mul3A_177 = arith.constant 16 : i32
        %mul3A_178 = arith.muli %scan3A_176, %mul3A_177 : i32
        %add3A_179 = arith.constant 1600 : i32
        %add3A_180 = arith.addi %add3A_179, %mul3A_178 : i32
        %get3A_181 = arith.index_cast %add3A_180 : i32 to index
        %get3A_182 = tpu.vector_load %arg5[%get3A_181] {strides = array<i32>} : memref<3200xf32, #tpu.memory_space<vmem>>, vector<16xf32>,
        %get3A_183 = vector.shape_cast %get3A_182 : vector<16xf32> to vector<16xf32>
        %get3A_184 = arith.index_cast %add3A_180 : i32 to index
        %get3A_185 = tpu.vector_load %arg6[%get3A_184] {strides = array<i32>} : memref<3200xf32, #tpu.memory_space<vmem>>, vector<16xf32>,
        %get3A_186 = vector.shape_cast %get3A_185 : vector<16xf32> to vector<16xf32>
        %sub3A_187 = arith.subf %get3A_30, %get3A_183 : vector<16xf32>
        %sub3A_188 = arith.subf %get3A_33, %get3A_186 : vector<16xf32>
        %mul3A_189 = arith.mulf %sub3A_187, %sub3A_187 : vector<16xf32>
        %mul3A_190 = arith.mulf %sub3A_188, %sub3A_188 : vector<16xf32>
        %add3A_191 = arith.addf %mul3A_189, %mul3A_190 : vector<16xf32>
        %convert_element_type3A_192 = arith.sitofp %scan3A_176 : i32 to f32
        %broadcast_in_dim3A_193 = vector.broadcast %convert_element_type3A_192 : f32 to vector<16xf32>
        %eq3A_194 = arith.cmpi eq, %scan3A_24, %scan3A_176 : i32
        %jit3A_195 = arith.constant 1.000000e+09 : f32
        %jit3A_196 = arith.constant 0.000000e+00 : f32
        %select_n3A_197 = arith.select %eq3A_194, %jit3A_195, %jit3A_196 : f32
        %broadcast_in_dim3A_198 = vector.broadcast %select_n3A_197 : f32 to vector<16xf32>
        %add3A_199 = arith.addf %add3A_191, %broadcast_in_dim3A_198 : vector<16xf32>
        %lt3A_200 = arith.cmpf olt, %add3A_199, %select_n3A_173 : vector<16xf32>
        %lt3A_201 = arith.cmpf olt, %add3A_199, %select_n3A_170 : vector<16xf32>
        %lt3A_202 = arith.cmpf olt, %add3A_199, %select_n3A_166 : vector<16xf32>
        %select_n3A_203 = arith.select %lt3A_201, %select_n3A_170, %add3A_199 : vector<16xi1>, vector<16xf32>
        %select_n3A_204 = arith.select %lt3A_202, %select_n3A_203, %select_n3A_166 : vector<16xi1>, vector<16xf32>
        %select_n3A_205 = arith.select %lt3A_201, %select_n3A_172, %broadcast_in_dim3A_193 : vector<16xi1>, vector<16xf32>
        %select_n3A_206 = arith.select %lt3A_202, %select_n3A_205, %select_n3A_168 : vector<16xi1>, vector<16xf32>
        %select_n3A_207 = arith.select %lt3A_200, %select_n3A_173, %add3A_199 : vector<16xi1>, vector<16xf32>
        %select_n3A_208 = arith.select %lt3A_201, %select_n3A_207, %select_n3A_170 : vector<16xi1>, vector<16xf32>
        %select_n3A_209 = arith.select %lt3A_200, %select_n3A_174, %broadcast_in_dim3A_193 : vector<16xi1>, vector<16xf32>
        %select_n3A_210 = arith.select %lt3A_201, %select_n3A_209, %select_n3A_172 : vector<16xi1>, vector<16xf32>
        %select_n3A_211 = arith.select %lt3A_200, %add3A_199, %select_n3A_173 : vector<16xi1>, vector<16xf32>
        %select_n3A_212 = arith.select %lt3A_200, %broadcast_in_dim3A_193, %select_n3A_174 : vector<16xi1>, vector<16xf32>
        scf.yield %select_n3A_211, %select_n3A_208, %select_n3A_204, %select_n3A_212, %select_n3A_210, %select_n3A_206 : vector<16xf32>, vector<16xf32>, vector<16xf32>, vector<16xf32>, vector<16xf32>, vector<16xf32>
      }
      %scan3A_42 = arith.constant 100 : i32
      %mul3A_43 = arith.constant 16 : i32
      %mul3A_44 = arith.muli %scan3A_24, %mul3A_43 : i32
      %add3A_45 = arith.constant 4800 : i32
      %add3A_46 = arith.addi %add3A_45, %mul3A_44 : i32
      %swap3A = arith.index_cast %add3A_46 : i32 to index
      %swap3A_47 = tpu.vector_load %arg7[%swap3A] {strides = array<i32>} : memref<9600xf32, #tpu.memory_space<vmem>>, vector<16xf32>,
      %swap3A_48 = vector.shape_cast %swap3A_47 : vector<16xf32> to vector<16xf32>
      %swap3A_49 = vector.shape_cast %scan3A_41#3 : vector<16xf32> to vector<16xf32>
      tpu.vector_store %arg7[%swap3A], %swap3A_49 {strides = array<i32>} : memref<9600xf32, #tpu.memory_space<vmem>>, vector<16xf32>,
      %add3A_50 = arith.constant 1600 : i32
      %add3A_51 = arith.addi %add3A_46, %add3A_50 : i32
      %swap3A_52 = arith.index_cast %add3A_51 : i32 to index
      %swap3A_53 = tpu.vector_load %arg7[%swap3A_52] {strides = array<i32>} : memref<9600xf32, #tpu.memory_space<vmem>>, vector<16xf32>,
      %swap3A_54 = vector.shape_cast %swap3A_53 : vector<16xf32> to vector<16xf32>
      %swap3A_55 = vector.shape_cast %scan3A_41#4 : vector<16xf32> to vector<16xf32>
      tpu.vector_store %arg7[%swap3A_52], %swap3A_55 {strides = array<i32>} : memref<9600xf32, #tpu.memory_space<vmem>>, vector<16xf32>,
      %add3A_56 = arith.constant 3200 : i32
      %add3A_57 = arith.addi %add3A_46, %add3A_56 : i32
      %swap3A_58 = arith.index_cast %add3A_57 : i32 to index
      %swap3A_59 = tpu.vector_load %arg7[%swap3A_58] {strides = array<i32>} : memref<9600xf32, #tpu.memory_space<vmem>>, vector<16xf32>,
      %swap3A_60 = vector.shape_cast %swap3A_59 : vector<16xf32> to vector<16xf32>
      %swap3A_61 = vector.shape_cast %scan3A_41#5 : vector<16xf32> to vector<16xf32>
      tpu.vector_store %arg7[%swap3A_58], %swap3A_61 {strides = array<i32>} : memref<9600xf32, #tpu.memory_space<vmem>>, vector<16xf32>,
    }
    %scan3A_19 = arith.constant 100 : i32
    %mul3A_20 = arith.constant 2 : i32
    %mul3A_21 = arith.muli %add3A, %mul3A_20 : i32
    %mul3A_22 = arith.constant 4800 : i32
    %mul3A_23 = arith.muli %mul3A_21, %mul3A_22 : i32
    "tpu.region"() ({
      %run_scoped3A = tpu.sem_alloc : memref<!tpu.dma_semaphore, #tpu.memory_space<semaphore_mem>>
      %dma_start3A = tpu.memref_slice %arg4[%mul3A_23] : memref<307200xf32, #tpu.memory_space<hbm>> -> memref<9600xf32, #tpu.memory_space<hbm>>
      %dma_start3A_24 = tpu.memref_slice %arg4[%mul3A_23] : memref<307200xf32, #tpu.memory_space<hbm>> -> memref<9600xf32, #tpu.memory_space<hbm>>
      tpu.enqueue_dma source(%arg7 : memref<9600xf32, #tpu.memory_space<vmem>>) target(%dma_start3A_24 : memref<9600xf32, #tpu.memory_space<hbm>>) target_semaphore(%run_scoped3A : memref<!tpu.dma_semaphore, #tpu.memory_space<semaphore_mem>>)
      %dma_wait3A = tpu.memref_slice %arg4[%mul3A_23] : memref<307200xf32, #tpu.memory_space<hbm>> -> memref<9600xf32, #tpu.memory_space<hbm>>
      %dma_wait3A_25 = tpu.memref_slice %arg4[%mul3A_23] : memref<307200xf32, #tpu.memory_space<hbm>> -> memref<9600xf32, #tpu.memory_space<hbm>>
      tpu.wait_dma2 semaphore(%run_scoped3A : memref<!tpu.dma_semaphore, #tpu.memory_space<semaphore_mem>>) src(%arg7 : memref<9600xf32, #tpu.memory_space<vmem>>) dst(%dma_wait3A_25 : memref<9600xf32, #tpu.memory_space<hbm>>)
      tpu.yield
    }) : () -> ()
    return
  }
}

module attributes {stable_mosaic.version = 14 : i64} {
  func.func @_tc_body(%arg0: i32, %arg1: memref<8x3x100x16xf32, #tpu.memory_space<vmem>>, %arg2: memref<128x16x100xf32, #tpu.memory_space<vmem>>, %arg3: memref<32x16xf32, #tpu.memory_space<vmem>>, %arg4: memref<32x16xf32, #tpu.memory_space<vmem>>, %arg5: memref<32x1xf32, #tpu.memory_space<vmem>>, %arg6: memref<32x32xf32, #tpu.memory_space<vmem>>, %arg7: memref<32x1xf32, #tpu.memory_space<vmem>>, %arg8: memref<32x32xf32, #tpu.memory_space<vmem>>, %arg9: memref<32x1xf32, #tpu.memory_space<vmem>>, %arg10: memref<32x64xf32, #tpu.memory_space<vmem>>, %arg11: memref<1x64xf32, #tpu.memory_space<vmem>>, %arg12: memref<64x64xf32, #tpu.memory_space<vmem>>, %arg13: memref<1x64xf32, #tpu.memory_space<vmem>>, %arg14: memref<128x64xf32, #tpu.memory_space<vmem>>) attributes {dimension_semantics = [#tpu.dimension_semantics<arbitrary>], iteration_bounds = array<i64: 8>, scalar_prefetch = 0 : i64, scratch_operands = 0 : i64, tpu.core_type = #tpu.core_type<tc>, window_params = [{transform_indices = @transform_0, window_bounds = array<i64: 8, 3, 100, 16>}, {transform_indices = @transform_1, window_bounds = array<i64: 128, 16, 100>}, {pipeline_mode = #tpu.pipeline_mode<synchronous>, transform_indices = @transform_2, window_bounds = array<i64: 32, 16>}, {pipeline_mode = #tpu.pipeline_mode<synchronous>, transform_indices = @transform_3, window_bounds = array<i64: 32, 16>}, {pipeline_mode = #tpu.pipeline_mode<synchronous>, transform_indices = @transform_4, window_bounds = array<i64: 32, 1>}, {pipeline_mode = #tpu.pipeline_mode<synchronous>, transform_indices = @transform_5, window_bounds = array<i64: 32, 32>}, {pipeline_mode = #tpu.pipeline_mode<synchronous>, transform_indices = @transform_6, window_bounds = array<i64: 32, 1>}, {pipeline_mode = #tpu.pipeline_mode<synchronous>, transform_indices = @transform_7, window_bounds = array<i64: 32, 32>}, {pipeline_mode = #tpu.pipeline_mode<synchronous>, transform_indices = @transform_8, window_bounds = array<i64: 32, 1>}, {pipeline_mode = #tpu.pipeline_mode<synchronous>, transform_indices = @transform_9, window_bounds = array<i64: 32, 64>}, {pipeline_mode = #tpu.pipeline_mode<synchronous>, transform_indices = @transform_10, window_bounds = array<i64: 1, 64>}, {pipeline_mode = #tpu.pipeline_mode<synchronous>, transform_indices = @transform_11, window_bounds = array<i64: 64, 64>}, {pipeline_mode = #tpu.pipeline_mode<synchronous>, transform_indices = @transform_12, window_bounds = array<i64: 1, 64>}, {transform_indices = @transform_13, window_bounds = array<i64: 128, 64>}]} {
    %iota3A = tpu.iota {dimensions = array<i32: 1>} : vector<128x100x100xi32>
    %convert_element_type3A = arith.sitofp %iota3A : vector<128x100x100xi32> to vector<128x100x100xf32>
    %get3A = arith.constant 0 : index
    %get3A_0 = arith.constant 0 : index
    %get3A_1 = arith.constant 0 : index
    %get3A_2 = arith.constant 0 : index
    %get3A_3 = vector.load %arg1[%get3A, %get3A_0, %get3A_1, %get3A_2] : memref<8x3x100x16xf32, #tpu.memory_space<vmem>>, vector<8x3x100x16xf32>
    %transpose3A = tpu.transpose %get3A_3, [0, 3, 1, 2] : vector<8x3x100x16xf32> -> vector<8x16x3x100xf32>
    %reshape3A = vector.shape_cast %transpose3A : vector<8x16x3x100xf32> to vector<128x3x100xf32>
    %get3A_4 = arith.constant 0 : index
    %get3A_5 = arith.constant 0 : index
    %get3A_6 = arith.constant 0 : index
    %get3A_7 = vector.load %arg2[%get3A_4, %get3A_5, %get3A_6] : memref<128x16x100xf32, #tpu.memory_space<vmem>>, vector<128x16x100xf32>
    %get3A_8 = arith.constant 0 : index
    %get3A_9 = arith.constant 0 : index
    %get3A_10 = vector.load %arg3[%get3A_8, %get3A_9] : memref<32x16xf32, #tpu.memory_space<vmem>>, vector<32x16xf32>
    %broadcast_in_dim3A = vector.shape_cast %get3A_10 : vector<32x16xf32> to vector<1x32x16xf32>
    %broadcast_in_dim3A_11 = vector.shape_cast %broadcast_in_dim3A : vector<1x32x16xf32> to vector<1x32x16xf32>
    %broadcast_in_dim3A_12 = vector.broadcast %broadcast_in_dim3A_11 : vector<1x32x16xf32> to vector<128x32x16xf32>
    %get3A_13 = arith.constant 0 : index
    %get3A_14 = arith.constant 0 : index
    %get3A_15 = vector.load %arg4[%get3A_13, %get3A_14] : memref<32x16xf32, #tpu.memory_space<vmem>>, vector<32x16xf32>
    %broadcast_in_dim3A_16 = vector.shape_cast %get3A_15 : vector<32x16xf32> to vector<1x32x16xf32>
    %broadcast_in_dim3A_17 = vector.shape_cast %broadcast_in_dim3A_16 : vector<1x32x16xf32> to vector<1x32x16xf32>
    %broadcast_in_dim3A_18 = vector.broadcast %broadcast_in_dim3A_17 : vector<1x32x16xf32> to vector<128x32x16xf32>
    %get3A_19 = arith.constant 0 : index
    %get3A_20 = arith.constant 0 : index
    %get3A_21 = vector.load %arg6[%get3A_19, %get3A_20] : memref<32x32xf32, #tpu.memory_space<vmem>>, vector<32x32xf32>
    %broadcast_in_dim3A_22 = vector.shape_cast %get3A_21 : vector<32x32xf32> to vector<1x32x32xf32>
    %broadcast_in_dim3A_23 = vector.shape_cast %broadcast_in_dim3A_22 : vector<1x32x32xf32> to vector<1x32x32xf32>
    %broadcast_in_dim3A_24 = vector.broadcast %broadcast_in_dim3A_23 : vector<1x32x32xf32> to vector<128x32x32xf32>
    %get3A_25 = arith.constant 0 : index
    %get3A_26 = arith.constant 0 : index
    %get3A_27 = vector.load %arg8[%get3A_25, %get3A_26] : memref<32x32xf32, #tpu.memory_space<vmem>>, vector<32x32xf32>
    %broadcast_in_dim3A_28 = vector.shape_cast %get3A_27 : vector<32x32xf32> to vector<1x32x32xf32>
    %broadcast_in_dim3A_29 = vector.shape_cast %broadcast_in_dim3A_28 : vector<1x32x32xf32> to vector<1x32x32xf32>
    %broadcast_in_dim3A_30 = vector.broadcast %broadcast_in_dim3A_29 : vector<1x32x32xf32> to vector<128x32x32xf32>
    %get3A_31 = arith.constant 0 : index
    %get3A_32 = arith.constant 0 : index
    %get3A_33 = vector.load %arg5[%get3A_31, %get3A_32] : memref<32x1xf32, #tpu.memory_space<vmem>>, vector<32x1xf32>
    %broadcast_in_dim3A_34 = vector.shape_cast %get3A_33 : vector<32x1xf32> to vector<1x32x1xf32>
    %get3A_35 = arith.constant 0 : index
    %get3A_36 = arith.constant 0 : index
    %get3A_37 = vector.load %arg7[%get3A_35, %get3A_36] : memref<32x1xf32, #tpu.memory_space<vmem>>, vector<32x1xf32>
    %broadcast_in_dim3A_38 = vector.shape_cast %get3A_37 : vector<32x1xf32> to vector<1x32x1xf32>
    %get3A_39 = arith.constant 0 : index
    %get3A_40 = arith.constant 0 : index
    %get3A_41 = vector.load %arg9[%get3A_39, %get3A_40] : memref<32x1xf32, #tpu.memory_space<vmem>>, vector<32x1xf32>
    %broadcast_in_dim3A_42 = vector.shape_cast %get3A_41 : vector<32x1xf32> to vector<1x32x1xf32>
    %dot_general3A = arith.constant dense<0.000000e+00> : vector<128x32x100xf32>
    %dot_general3A_43 = tpu.matmul %broadcast_in_dim3A_12, %get3A_7, %dot_general3A {dimension_numbers = #tpu.dot_dimension_numbers<[2], [1], [1], [2], [0, 0, 0, 1, 1, 2], [0], [0]>, transpose_lhs_hint = false} : vector<128x32x16xf32>, vector<128x16x100xf32>, vector<128x32x100xf32> -> vector<128x32x100xf32>
    %add3A = vector.broadcast %broadcast_in_dim3A_34 : vector<1x32x1xf32> to vector<128x32x100xf32>
    %add3A_44 = arith.addf %dot_general3A_43, %add3A : vector<128x32x100xf32>
    %dot_general3A_45 = arith.constant dense<0.000000e+00> : vector<128x32x100xf32>
    %dot_general3A_46 = tpu.matmul %broadcast_in_dim3A_18, %get3A_7, %dot_general3A_45 {dimension_numbers = #tpu.dot_dimension_numbers<[2], [1], [1], [2], [0, 0, 0, 1, 1, 2], [0], [0]>, transpose_lhs_hint = false} : vector<128x32x16xf32>, vector<128x16x100xf32>, vector<128x32x100xf32> -> vector<128x32x100xf32>
    %broadcast_in_dim3A_47 = arith.constant 0.000000e+00 : f32
    %broadcast_in_dim3A_48 = vector.broadcast %broadcast_in_dim3A_47 : f32 to vector<128x32x100xf32>
    %slice3A = vector.extract_strided_slice %reshape3A {offsets = [0, 0, 0], sizes = [128, 1, 100], strides = [1, 1, 1]} : vector<128x3x100xf32> to vector<128x1x100xf32>
    %squeeze3A = vector.shape_cast %slice3A : vector<128x1x100xf32> to vector<128x100xf32>
    %broadcast_in_dim3A_49 = vector.shape_cast %squeeze3A : vector<128x100xf32> to vector<128x1x100xf32>
    %eq3A = vector.broadcast %broadcast_in_dim3A_49 : vector<128x1x100xf32> to vector<128x100x100xf32>
    %eq3A_50 = arith.cmpf oeq, %convert_element_type3A, %eq3A : vector<128x100x100xf32>
    %convert_element_type3A_51 = arith.extui %eq3A_50 : vector<128x100x100xi1> to vector<128x100x100xi32>
    %convert_element_type3A_52 = arith.sitofp %convert_element_type3A_51 : vector<128x100x100xi32> to vector<128x100x100xf32>
    %dot_general3A_53 = arith.constant dense<0.000000e+00> : vector<128x32x100xf32>
    %dot_general3A_54 = tpu.matmul %dot_general3A_46, %convert_element_type3A_52, %dot_general3A_53 {dimension_numbers = #tpu.dot_dimension_numbers<[2], [1], [1], [2], [0, 0, 0, 1, 1, 2], [0], [0]>, transpose_lhs_hint = false} : vector<128x32x100xf32>, vector<128x100x100xf32>, vector<128x32x100xf32> -> vector<128x32x100xf32>
    %add3A_55 = arith.addf %add3A_44, %dot_general3A_54 : vector<128x32x100xf32>
    %max3A = arith.constant 0.000000e+00 : f32
    %max3A_56 = vector.broadcast %max3A : f32 to vector<128x32x100xf32>
    %max3A_57 = arith.maximumf %add3A_55, %max3A_56 : vector<128x32x100xf32>
    %dot_general3A_58 = arith.constant dense<0.000000e+00> : vector<128x32x100xf32>
    %dot_general3A_59 = tpu.matmul %broadcast_in_dim3A_24, %max3A_57, %dot_general3A_58 {dimension_numbers = #tpu.dot_dimension_numbers<[2], [1], [1], [2], [0, 0, 0, 1, 1, 2], [0], [0]>, transpose_lhs_hint = false} : vector<128x32x32xf32>, vector<128x32x100xf32>, vector<128x32x100xf32> -> vector<128x32x100xf32>
    %add3A_60 = vector.broadcast %broadcast_in_dim3A_38 : vector<1x32x1xf32> to vector<128x32x100xf32>
    %add3A_61 = arith.addf %dot_general3A_59, %add3A_60 : vector<128x32x100xf32>
    %max3A_62 = arith.constant 0.000000e+00 : f32
    %max3A_63 = vector.broadcast %max3A_62 : f32 to vector<128x32x100xf32>
    %max3A_64 = arith.maximumf %add3A_61, %max3A_63 : vector<128x32x100xf32>
    %dot_general3A_65 = arith.constant dense<0.000000e+00> : vector<128x32x100xf32>
    %dot_general3A_66 = tpu.matmul %broadcast_in_dim3A_30, %max3A_64, %dot_general3A_65 {dimension_numbers = #tpu.dot_dimension_numbers<[2], [1], [1], [2], [0, 0, 0, 1, 1, 2], [0], [0]>, transpose_lhs_hint = false} : vector<128x32x32xf32>, vector<128x32x100xf32>, vector<128x32x100xf32> -> vector<128x32x100xf32>
    %add3A_67 = vector.broadcast %broadcast_in_dim3A_42 : vector<1x32x1xf32> to vector<128x32x100xf32>
    %add3A_68 = arith.addf %dot_general3A_66, %add3A_67 : vector<128x32x100xf32>
    %max3A_69 = arith.constant 0.000000e+00 : f32
    %max3A_70 = vector.broadcast %max3A_69 : f32 to vector<128x32x100xf32>
    %max3A_71 = arith.maximumf %add3A_68, %max3A_70 : vector<128x32x100xf32>
    %add3A_72 = arith.addf %broadcast_in_dim3A_48, %max3A_71 : vector<128x32x100xf32>
    %slice3A_73 = vector.extract_strided_slice %reshape3A {offsets = [0, 1, 0], sizes = [128, 1, 100], strides = [1, 1, 1]} : vector<128x3x100xf32> to vector<128x1x100xf32>
    %squeeze3A_74 = vector.shape_cast %slice3A_73 : vector<128x1x100xf32> to vector<128x100xf32>
    %broadcast_in_dim3A_75 = vector.shape_cast %squeeze3A_74 : vector<128x100xf32> to vector<128x1x100xf32>
    %eq3A_76 = vector.broadcast %broadcast_in_dim3A_75 : vector<128x1x100xf32> to vector<128x100x100xf32>
    %eq3A_77 = arith.cmpf oeq, %convert_element_type3A, %eq3A_76 : vector<128x100x100xf32>
    %convert_element_type3A_78 = arith.extui %eq3A_77 : vector<128x100x100xi1> to vector<128x100x100xi32>
    %convert_element_type3A_79 = arith.sitofp %convert_element_type3A_78 : vector<128x100x100xi32> to vector<128x100x100xf32>
    %dot_general3A_80 = arith.constant dense<0.000000e+00> : vector<128x32x100xf32>
    %dot_general3A_81 = tpu.matmul %dot_general3A_46, %convert_element_type3A_79, %dot_general3A_80 {dimension_numbers = #tpu.dot_dimension_numbers<[2], [1], [1], [2], [0, 0, 0, 1, 1, 2], [0], [0]>, transpose_lhs_hint = false} : vector<128x32x100xf32>, vector<128x100x100xf32>, vector<128x32x100xf32> -> vector<128x32x100xf32>
    %add3A_82 = arith.addf %add3A_44, %dot_general3A_81 : vector<128x32x100xf32>
    %max3A_83 = arith.constant 0.000000e+00 : f32
    %max3A_84 = vector.broadcast %max3A_83 : f32 to vector<128x32x100xf32>
    %max3A_85 = arith.maximumf %add3A_82, %max3A_84 : vector<128x32x100xf32>
    %dot_general3A_86 = arith.constant dense<0.000000e+00> : vector<128x32x100xf32>
    %dot_general3A_87 = tpu.matmul %broadcast_in_dim3A_24, %max3A_85, %dot_general3A_86 {dimension_numbers = #tpu.dot_dimension_numbers<[2], [1], [1], [2], [0, 0, 0, 1, 1, 2], [0], [0]>, transpose_lhs_hint = false} : vector<128x32x32xf32>, vector<128x32x100xf32>, vector<128x32x100xf32> -> vector<128x32x100xf32>
    %add3A_88 = vector.broadcast %broadcast_in_dim3A_38 : vector<1x32x1xf32> to vector<128x32x100xf32>
    %add3A_89 = arith.addf %dot_general3A_87, %add3A_88 : vector<128x32x100xf32>
    %max3A_90 = arith.constant 0.000000e+00 : f32
    %max3A_91 = vector.broadcast %max3A_90 : f32 to vector<128x32x100xf32>
    %max3A_92 = arith.maximumf %add3A_89, %max3A_91 : vector<128x32x100xf32>
    %dot_general3A_93 = arith.constant dense<0.000000e+00> : vector<128x32x100xf32>
    %dot_general3A_94 = tpu.matmul %broadcast_in_dim3A_30, %max3A_92, %dot_general3A_93 {dimension_numbers = #tpu.dot_dimension_numbers<[2], [1], [1], [2], [0, 0, 0, 1, 1, 2], [0], [0]>, transpose_lhs_hint = false} : vector<128x32x32xf32>, vector<128x32x100xf32>, vector<128x32x100xf32> -> vector<128x32x100xf32>
    %add3A_95 = vector.broadcast %broadcast_in_dim3A_42 : vector<1x32x1xf32> to vector<128x32x100xf32>
    %add3A_96 = arith.addf %dot_general3A_94, %add3A_95 : vector<128x32x100xf32>
    %max3A_97 = arith.constant 0.000000e+00 : f32
    %max3A_98 = vector.broadcast %max3A_97 : f32 to vector<128x32x100xf32>
    %max3A_99 = arith.maximumf %add3A_96, %max3A_98 : vector<128x32x100xf32>
    %add3A_100 = arith.addf %add3A_72, %max3A_99 : vector<128x32x100xf32>
    %slice3A_101 = vector.extract_strided_slice %reshape3A {offsets = [0, 2, 0], sizes = [128, 1, 100], strides = [1, 1, 1]} : vector<128x3x100xf32> to vector<128x1x100xf32>
    %squeeze3A_102 = vector.shape_cast %slice3A_101 : vector<128x1x100xf32> to vector<128x100xf32>
    %broadcast_in_dim3A_103 = vector.shape_cast %squeeze3A_102 : vector<128x100xf32> to vector<128x1x100xf32>
    %eq3A_104 = vector.broadcast %broadcast_in_dim3A_103 : vector<128x1x100xf32> to vector<128x100x100xf32>
    %eq3A_105 = arith.cmpf oeq, %convert_element_type3A, %eq3A_104 : vector<128x100x100xf32>
    %convert_element_type3A_106 = arith.extui %eq3A_105 : vector<128x100x100xi1> to vector<128x100x100xi32>
    %convert_element_type3A_107 = arith.sitofp %convert_element_type3A_106 : vector<128x100x100xi32> to vector<128x100x100xf32>
    %dot_general3A_108 = arith.constant dense<0.000000e+00> : vector<128x32x100xf32>
    %dot_general3A_109 = tpu.matmul %dot_general3A_46, %convert_element_type3A_107, %dot_general3A_108 {dimension_numbers = #tpu.dot_dimension_numbers<[2], [1], [1], [2], [0, 0, 0, 1, 1, 2], [0], [0]>, transpose_lhs_hint = false} : vector<128x32x100xf32>, vector<128x100x100xf32>, vector<128x32x100xf32> -> vector<128x32x100xf32>
    %add3A_110 = arith.addf %add3A_44, %dot_general3A_109 : vector<128x32x100xf32>
    %max3A_111 = arith.constant 0.000000e+00 : f32
    %max3A_112 = vector.broadcast %max3A_111 : f32 to vector<128x32x100xf32>
    %max3A_113 = arith.maximumf %add3A_110, %max3A_112 : vector<128x32x100xf32>
    %dot_general3A_114 = arith.constant dense<0.000000e+00> : vector<128x32x100xf32>
    %dot_general3A_115 = tpu.matmul %broadcast_in_dim3A_24, %max3A_113, %dot_general3A_114 {dimension_numbers = #tpu.dot_dimension_numbers<[2], [1], [1], [2], [0, 0, 0, 1, 1, 2], [0], [0]>, transpose_lhs_hint = false} : vector<128x32x32xf32>, vector<128x32x100xf32>, vector<128x32x100xf32> -> vector<128x32x100xf32>
    %add3A_116 = vector.broadcast %broadcast_in_dim3A_38 : vector<1x32x1xf32> to vector<128x32x100xf32>
    %add3A_117 = arith.addf %dot_general3A_115, %add3A_116 : vector<128x32x100xf32>
    %max3A_118 = arith.constant 0.000000e+00 : f32
    %max3A_119 = vector.broadcast %max3A_118 : f32 to vector<128x32x100xf32>
    %max3A_120 = arith.maximumf %add3A_117, %max3A_119 : vector<128x32x100xf32>
    %dot_general3A_121 = arith.constant dense<0.000000e+00> : vector<128x32x100xf32>
    %dot_general3A_122 = tpu.matmul %broadcast_in_dim3A_30, %max3A_120, %dot_general3A_121 {dimension_numbers = #tpu.dot_dimension_numbers<[2], [1], [1], [2], [0, 0, 0, 1, 1, 2], [0], [0]>, transpose_lhs_hint = false} : vector<128x32x32xf32>, vector<128x32x100xf32>, vector<128x32x100xf32> -> vector<128x32x100xf32>
    %add3A_123 = vector.broadcast %broadcast_in_dim3A_42 : vector<1x32x1xf32> to vector<128x32x100xf32>
    %add3A_124 = arith.addf %dot_general3A_122, %add3A_123 : vector<128x32x100xf32>
    %max3A_125 = arith.constant 0.000000e+00 : f32
    %max3A_126 = vector.broadcast %max3A_125 : f32 to vector<128x32x100xf32>
    %max3A_127 = arith.maximumf %add3A_124, %max3A_126 : vector<128x32x100xf32>
    %add3A_128 = arith.addf %add3A_100, %max3A_127 : vector<128x32x100xf32>
    %broadcast_in_dim3A_129 = arith.constant 0.00333333341 : f32
    %broadcast_in_dim3A_130 = vector.broadcast %broadcast_in_dim3A_129 : f32 to vector<128x100x1xf32>
    %dot_general3A_131 = arith.constant dense<0.000000e+00> : vector<128x32x1xf32>
    %dot_general3A_132 = tpu.matmul %add3A_128, %broadcast_in_dim3A_130, %dot_general3A_131 {dimension_numbers = #tpu.dot_dimension_numbers<[2], [1], [1], [2], [0, 0, 0, 1, 1, 2], [0], [0]>, transpose_lhs_hint = false} : vector<128x32x100xf32>, vector<128x100x1xf32>, vector<128x32x1xf32> -> vector<128x32x1xf32>
    %reshape3A_133 = vector.shape_cast %dot_general3A_132 : vector<128x32x1xf32> to vector<128x32xf32>
    %get3A_134 = arith.constant 0 : index
    %get3A_135 = arith.constant 0 : index
    %get3A_136 = vector.load %arg10[%get3A_134, %get3A_135] : memref<32x64xf32, #tpu.memory_space<vmem>>, vector<32x64xf32>
    %dot_general3A_137 = arith.constant dense<0.000000e+00> : vector<128x64xf32>
    %dot_general3A_138 = tpu.matmul %reshape3A_133, %get3A_136, %dot_general3A_137 {dimension_numbers = #tpu.dot_dimension_numbers<[1], [0], [0], [1], [0, 0, 1, 1], [], []>, transpose_lhs_hint = false} : vector<128x32xf32>, vector<32x64xf32>, vector<128x64xf32> -> vector<128x64xf32>
    %get3A_139 = arith.constant 0 : index
    %get3A_140 = arith.constant 0 : index
    %get3A_141 = vector.load %arg11[%get3A_139, %get3A_140] : memref<1x64xf32, #tpu.memory_space<vmem>>, vector<1x64xf32>
    %add3A_142 = vector.broadcast %get3A_141 : vector<1x64xf32> to vector<128x64xf32>
    %add3A_143 = arith.addf %dot_general3A_138, %add3A_142 : vector<128x64xf32>
    %max3A_144 = arith.constant 0.000000e+00 : f32
    %max3A_145 = vector.broadcast %max3A_144 : f32 to vector<128x64xf32>
    %max3A_146 = arith.maximumf %add3A_143, %max3A_145 : vector<128x64xf32>
    %get3A_147 = arith.constant 0 : index
    %get3A_148 = arith.constant 0 : index
    %get3A_149 = vector.load %arg12[%get3A_147, %get3A_148] : memref<64x64xf32, #tpu.memory_space<vmem>>, vector<64x64xf32>
    %dot_general3A_150 = arith.constant dense<0.000000e+00> : vector<128x64xf32>
    %dot_general3A_151 = tpu.matmul %max3A_146, %get3A_149, %dot_general3A_150 {dimension_numbers = #tpu.dot_dimension_numbers<[1], [0], [0], [1], [0, 0, 1, 1], [], []>, transpose_lhs_hint = false} : vector<128x64xf32>, vector<64x64xf32>, vector<128x64xf32> -> vector<128x64xf32>
    %get3A_152 = arith.constant 0 : index
    %get3A_153 = arith.constant 0 : index
    %get3A_154 = vector.load %arg13[%get3A_152, %get3A_153] : memref<1x64xf32, #tpu.memory_space<vmem>>, vector<1x64xf32>
    %add3A_155 = vector.broadcast %get3A_154 : vector<1x64xf32> to vector<128x64xf32>
    %add3A_156 = arith.addf %dot_general3A_151, %add3A_155 : vector<128x64xf32>
    %max3A_157 = arith.constant 0.000000e+00 : f32
    %max3A_158 = vector.broadcast %max3A_157 : f32 to vector<128x64xf32>
    %max3A_159 = arith.maximumf %add3A_156, %max3A_158 : vector<128x64xf32>
    %swap3A = arith.constant 0 : index
    %swap3A_160 = arith.constant 0 : index
    %swap3A_161 = vector.load %arg14[%swap3A, %swap3A_160] : memref<128x64xf32, #tpu.memory_space<vmem>>, vector<128x64xf32>
    tpu.vector_store %arg14[%swap3A, %swap3A_160], %max3A_159 {strides = array<i32>} : memref<128x64xf32, #tpu.memory_space<vmem>>, vector<128x64xf32>,
    return
  }
  func.func @transform_0(%arg0: i32) -> (i32, i32, i32, i32) {
    %c0_i32 = arith.constant 0 : i32
    %c0_i32_0 = arith.constant 0 : i32
    %c0_i32_1 = arith.constant 0 : i32
    %c0_i32_2 = arith.constant 0 : i32
    return %arg0, %c0_i32, %c0_i32_0, %c0_i32_1 : i32, i32, i32, i32
  }
  func.func @transform_1(%arg0: i32) -> (i32, i32, i32) {
    %c0_i32 = arith.constant 0 : i32
    %c0_i32_0 = arith.constant 0 : i32
    %c0_i32_1 = arith.constant 0 : i32
    return %arg0, %c0_i32, %c0_i32_0 : i32, i32, i32
  }
  func.func @transform_2(%arg0: i32) -> (i32, i32) {
    %c0_i32 = arith.constant 0 : i32
    %c0_i32_0 = arith.constant 0 : i32
    %c0_i32_1 = arith.constant 0 : i32
    return %c0_i32, %c0_i32_0 : i32, i32
  }
  func.func @transform_3(%arg0: i32) -> (i32, i32) {
    %c0_i32 = arith.constant 0 : i32
    %c0_i32_0 = arith.constant 0 : i32
    %c0_i32_1 = arith.constant 0 : i32
    return %c0_i32, %c0_i32_0 : i32, i32
  }
  func.func @transform_4(%arg0: i32) -> (i32, i32) {
    %c0_i32 = arith.constant 0 : i32
    %c0_i32_0 = arith.constant 0 : i32
    %c0_i32_1 = arith.constant 0 : i32
    return %c0_i32, %c0_i32_0 : i32, i32
  }
  func.func @transform_5(%arg0: i32) -> (i32, i32) {
    %c0_i32 = arith.constant 0 : i32
    %c0_i32_0 = arith.constant 0 : i32
    %c0_i32_1 = arith.constant 0 : i32
    return %c0_i32, %c0_i32_0 : i32, i32
  }
  func.func @transform_6(%arg0: i32) -> (i32, i32) {
    %c0_i32 = arith.constant 0 : i32
    %c0_i32_0 = arith.constant 0 : i32
    %c0_i32_1 = arith.constant 0 : i32
    return %c0_i32, %c0_i32_0 : i32, i32
  }
  func.func @transform_7(%arg0: i32) -> (i32, i32) {
    %c0_i32 = arith.constant 0 : i32
    %c0_i32_0 = arith.constant 0 : i32
    %c0_i32_1 = arith.constant 0 : i32
    return %c0_i32, %c0_i32_0 : i32, i32
  }
  func.func @transform_8(%arg0: i32) -> (i32, i32) {
    %c0_i32 = arith.constant 0 : i32
    %c0_i32_0 = arith.constant 0 : i32
    %c0_i32_1 = arith.constant 0 : i32
    return %c0_i32, %c0_i32_0 : i32, i32
  }
  func.func @transform_9(%arg0: i32) -> (i32, i32) {
    %c0_i32 = arith.constant 0 : i32
    %c0_i32_0 = arith.constant 0 : i32
    %c0_i32_1 = arith.constant 0 : i32
    return %c0_i32, %c0_i32_0 : i32, i32
  }
  func.func @transform_10(%arg0: i32) -> (i32, i32) {
    %c0_i32 = arith.constant 0 : i32
    %c0_i32_0 = arith.constant 0 : i32
    %c0_i32_1 = arith.constant 0 : i32
    return %c0_i32, %c0_i32_0 : i32, i32
  }
  func.func @transform_11(%arg0: i32) -> (i32, i32) {
    %c0_i32 = arith.constant 0 : i32
    %c0_i32_0 = arith.constant 0 : i32
    %c0_i32_1 = arith.constant 0 : i32
    return %c0_i32, %c0_i32_0 : i32, i32
  }
  func.func @transform_12(%arg0: i32) -> (i32, i32) {
    %c0_i32 = arith.constant 0 : i32
    %c0_i32_0 = arith.constant 0 : i32
    %c0_i32_1 = arith.constant 0 : i32
    return %c0_i32, %c0_i32_0 : i32, i32
  }
  func.func @transform_13(%arg0: i32) -> (i32, i32) {
    %c0_i32 = arith.constant 0 : i32
    %c0_i32_0 = arith.constant 0 : i32
    return %arg0, %c0_i32 : i32, i32
  }
}

</mosaic_0001>

<sc_bundles>
// kernel: kernel.4.cloned.1.call-start
scs
__scs_entry_jumppad:
0x0: {  	(pc) =	sbr.rel $0x88, $3  }
0x1: {  	(tag) =	ssettag $0x0;
	lr =	simm.s32 $0x1  }
0x2: {  	[smem:$0x3F96] =	sst lr;
	_ =	strace $0xD0000000  }
0x3: {  	_ = 	snop  }
0x4: {  	_ = 	snop  }
0x5: {  	_ = 	snop  }
0x6: {  	_ = 	snop  }
0x7: {  	_ = 	snop  }
__scs_overlays_trampoline_lowered:
0x8: {  	[smem:$0x3FA5] =	sst s0  }
0x9: {  	[smem:$0x3FA6] =	sst s1  }
0xa: {  	[smem:$0x3FA7] =	sst s2  }
0xb: {  	[smem:$0x3FA8] =	sst s3  }
0xc: {  	[smem:$0x3FA9] =	sst s4  }
0xd: {  	[smem:$0x3FAA] =	sst s5  }
0xe: {  	[smem:$0x3FAB] =	sst s6  }
0xf: {  	[smem:$0x3FAC] =	sst s7  }
0x10: {  	[smem:$0x3FAD] =	sst s8  }
0x11: {  	[smem:$0x3FAE] =	sst s9;
	s0 =	simm.s32 @!p0 $0x0  }
0x12: {  	s1 =	sld [smem:$0x3F94];
	s0 =	simm.s32 @p0 $0x1  }
0x13: {  	[smem:$0x3FAF] =	sst s0;
	s0 =	simm.s32 @!p1 $0x0  }
0x14: {  	s2 =	sld [smem:$0x3F93];
	s0 =	simm.s32 @p1 $0x1  }
0x15: {  	[smem:$0x3FB0] =	sst s0;
	s0 =	simm.s32 @!p2 $0x0  }
0x16: {  	s3 =	sld [smem:$0x3FDB];
	s0 =	simm.s32 @p2 $0x1  }
0x17: {  	s4 =	simm.s32 $0x1BF5;
	[smem:$0x3FB2] =	sst s0  }
0x18: {  	s0 =	sld [smem:$0x3F95];
	_ =	swait.ge [sflag:s4], $0x0  }
0x19: {  	s7 =	sld [smem:$0x3F96]  }
0x1a: {  	s8 =	sadd.s32 $0xFFFFE003, lr  }
0x1b: {  	s9 =	sadd.s32 $0xFFFFFEF7, lr;
	s5 =	simm.s32 $0xFFFFFFFF;
	p2 =	slt.u32 s8, $0xFFFFF086  }
0x1c: {  	p1 =	slt.u32 s9, $0xF7A;
	s5 =	simm.s32 @!p2 $0x0  }
0x1d: {  	s5 =	simm.s32 @p1 $0x1;
	p0 =	seq.s32 s7, s2  }
0x1e: {  	s7 =	smul.u32 @!p0 $0xF7A, s2;
	p2 =	seq.s32 @!p0 s5, $0x0  }
0x1f: {  	s9 =	smul.u32 $0xF7A, s1;
	s8 =	simm.s32 @!p0 $0x1BF5;
	p2 =	por !p2, p0  }
0x20: {  	[sflag:s8] =	ssyncset.s32 @!p0 $0xFFFFF086;
	s6 =	sadd.s32 @!p0 s3, s7;
	s7 =	simm.s32 @!p0 $0x108  }
0x21: {  	s3 =	sadd.s32 s3, s9;
	s6 =	sadd.s32 @!p0 $0x88, s6;
	s7 =	simm.s32 @p2 $0x1082  }
0x22: {  	[simem:s7], [sflag:s8] =	dma.local @!p0 [hbm:s6], $0xF7A  }
0x23: {  	s9 =	sor.u32 $0xD0000000, s2;
	s6 =	simm.s32 $0x108;
	_ =	swait.ge @!p0 [sflag:s8], $0x0  }
0x24: {  	s3 =	sadd.s32 $0x88, s3;
	s6 =	simm.s32 @!p1 $0x1082;
	[sflag:s4] =	ssyncset.s32 $0xFFFFF086  }
0x25: {  	[simem:s6], [sflag:s4] =	dma.local [hbm:s3], $0xF7A  }
0x26: {  	[smem:$0x3F96] =	sst s1;
	(tag) =	ssettag s2;
	_ =	strace s9  }
0x27: {  	s1 =	sld [smem:$0x3FA6]  }
0x28: {  	s2 =	sld [smem:$0x3FA7]  }
0x29: {  	s4 =	sld [smem:$0x3FA9]  }
0x2a: {  	p0 =	seq.s32 s5, $0x0;
	s5 =	sld [smem:$0x3FAA]  }
0x2b: {  	s6 =	sld [smem:$0x3FAB]  }
0x2c: {  	s7 =	sld [smem:$0x3FAC]  }
0x2d: {  	s3 =	simm.s32 $0x108;
	s8 =	sld [smem:$0x3FAD]  }
0x2e: {  	s3 =	simm.s32 @!p0 $0x1082;
	s9 =	sld [smem:$0x3FAE]  }
0x2f: {  	lr =	sadd.s32 s0, s3;
	s0 =	sld [smem:$0x3FA5]  }
0x30: {  	s3 =	sld [smem:$0x3FA8]  }
0x31: {  	[smem:$0x3FB1] =	sst s10  }
0x32: {  	s10 =	sld [smem:$0x3FAF];
	_ =	sdelay $0x3  }
0x33: {  	p0 =	seq.s32 s10, $0x1;
	s10 =	sld [smem:$0x3FB1];
	_ =	sdelay $0x3  }
0x34: {  	[smem:$0x3FB1] =	sst s10  }
0x35: {  	s10 =	sld [smem:$0x3FB0];
	_ =	sdelay $0x3  }
0x36: {  	p1 =	seq.s32 s10, $0x1;
	s10 =	sld [smem:$0x3FB1];
	_ =	sdelay $0x3  }
0x37: {  	[smem:$0x3FB1] =	sst s10  }
0x38: {  	s10 =	sld [smem:$0x3FB2]  }
0x39: {  	_ = 	snop;
	(pc) =	sbr.ind lr, $3  }
0x3a: {  	_ = 	snop  }
0x3b: {  	_ = 	snop  }
0x3c: {  	p2 =	seq.s32 s10, $0x1;
	s10 =	sld [smem:$0x3FB1]  }
0x3d: {  	_ =	shalt  }
0x3e: {  	_ =	shalt  }
0x3f: {  	_ =	shalt  }
0x40: {  	_ =	shalt  }
0x41: {  	_ =	shalt  }
0x42: {  	_ =	shalt  }
0x43: {  	_ =	shalt  }
0x44: {  	_ =	shalt  }
0x45: {  	_ =	shalt  }
0x46: {  	_ =	shalt  }
0x47: {  	_ =	shalt  }
0x48: {  	_ =	shalt  }
0x49: {  	_ =	shalt  }
0x4a: {  	_ =	shalt  }
0x4b: {  	_ =	shalt  }
0x4c: {  	_ =	shalt  }
0x4d: {  	_ =	shalt  }
0x4e: {  	_ =	shalt  }
0x4f: {  	_ =	shalt  }
0x50: {  	_ =	shalt  }
0x51: {  	_ =	shalt  }
0x52: {  	_ =	shalt  }
0x53: {  	_ =	shalt  }
0x54: {  	_ =	shalt  }
0x55: {  	_ =	shalt  }
0x56: {  	_ =	shalt  }
0x57: {  	_ =	shalt  }
0x58: {  	_ =	shalt  }
0x59: {  	_ =	shalt  }
0x5a: {  	_ =	shalt  }
0x5b: {  	_ =	shalt  }
0x5c: {  	_ =	shalt  }
0x5d: {  	_ =	shalt  }
0x5e: {  	_ =	shalt  }
0x5f: {  	_ =	shalt  }
0x60: {  	_ =	shalt  }
0x61: {  	_ =	shalt  }
0x62: {  	_ =	shalt  }
0x63: {  	_ =	shalt  }
0x64: {  	_ =	shalt  }
0x65: {  	_ =	shalt  }
0x66: {  	_ =	shalt  }
0x67: {  	_ =	shalt  }
0x68: {  	_ =	shalt  }
0x69: {  	_ =	shalt  }
0x6a: {  	_ =	shalt  }
0x6b: {  	_ =	shalt  }
0x6c: {  	_ =	shalt  }
0x6d: {  	_ =	shalt  }
0x6e: {  	_ =	shalt  }
0x6f: {  	_ =	shalt  }
0x70: {  	_ =	shalt  }
0x71: {  	_ =	shalt  }
0x72: {  	_ =	shalt  }
0x73: {  	_ =	shalt  }
0x74: {  	_ =	shalt  }
0x75: {  	_ =	shalt  }
0x76: {  	_ =	shalt  }
0x77: {  	_ =	shalt  }
0x78: {  	_ =	shalt  }
0x79: {  	_ =	shalt  }
0x7a: {  	_ =	shalt  }
0x7b: {  	_ =	shalt  }
0x7c: {  	_ =	shalt  }
0x7d: {  	_ =	shalt  }
0x7e: {  	_ =	shalt  }
0x7f: {  	_ =	shalt  }
0x80: {  	_ =	shalt  }
0x81: {  	_ =	shalt  }
0x82: {  	_ =	shalt  }
0x83: {  	_ =	shalt  }
0x84: {  	_ =	shalt  }
0x85: {  	_ =	shalt  }
0x86: {  	_ =	shalt  }
0x87: {  	_ =	shalt  }
.Lfunc_end0:
.L_simem_size_0:
called_computation_lowered:
.L_overlay_start_0:
0x88: {  	s2 =	sld [smem:$0x3FD9]  }
0x89: {  	s3 =	sld [smem:$0x3FFE];
	_ =	sdelay $0x1  }
0x8a: {  	s1 =	srdreg.scid  }
0x8b: {  	s0 =	sand.u32 $0x1, s1  }
0x8c: {  	s16 =	sshll.u32 s0, $0xA;
	s2 =	sadd.s32 s3, s2  }
0x8d: {  	s2 =	sadd.s32 s2, s16  }
0x8e: {  	[smem:$0x3FBD] =	sst s2  }
0x8f: {  	_ = 	snop  }
0x90: {  	(tm) =	ssettm $0x1  }
0x91: {  	s17 =	sld [smem:$0x3FFB];
	_ =	sdelay $0x3  }
0x92: {  	_ =	strace s17  }
0x93: {  	s2 =	sld [smem:$0x3FFC];
	_ =	sdelay $0x3  }
0x94: {  	_ =	strace s2  }
0x95: {  	s2 =	sld [smem:$0x3FFD];
	_ =	sdelay $0x3  }
0x96: {  	_ =	strace s2  }
0x97: {  	_ =	strace $0x8FFFFFFF  }
0x98: {  	s18 =	sld [smem:$0x3FDB];
	_ =	sdelay $0x1  }
0x99: {  	s19 =	simm.s32 $_scs_section_size  }
0x9a: {  	s4 =	simm.s32 $_size__tile_overlayer_lowered;
	s5 =	simm.s32 $_tile_overlayer_lowered  }
0x9b: {  	s22 =	simm.s32 $0x1BFF;
	s21 =	sshll.u32 s5, $0x1;
	s2 =	sadd.s32 s19, s18  }
0x9c: {  	s6 =	simm.s32 $0x0;
	s20 =	sshll.u32 s4, $0x1;
	s4 =	sadd.s32 s21, s2  }
0x9d: {  	[timem:s6], [sflag:s22] =	dma.local [hbm:s4], s20  }
0x9e: {  	_ =	swait.ge [sflag:s22], s20  }
0x9f: {  	s3 =	ssub.s32 $0x0, s20;
	[sflag:s22] =	ssyncset.done $0x0  }
0xa0: {  	[sflag:s22] =	ssyncadd.s32 s3;
	_ =	sdelay $0x1  }
0xa1: {  	s23 =	simm.s32 $0x1B8B  }
0xa2: {  	_ =	swait.ge [sflag:s23], $0x1  }
0xa3: {  	[sflag:s23] =	ssyncset.done $0x0  }
0xa4: {  	s25 =	simm.s32 $0x1B8E;
	s24 =	sld [smem:$0x3FFE];
	[sflag:s23] =	ssyncadd.s32 $0xFFFFFFFF  }
0xa5: {  	s26 =	simm.s32 $execute0_lowered;
	[smem:$0x3FD2] =	sst s25  }
0xa6: {  	s4 =	sshll.u32 s26, $0x1;
	_ =	strace $0x80000046;
	[dreg:$0x1] =	wrdreg $0xFFFFFFFF  }
0xa7: {  	s28 =	simm.s32 $_size_execute0_lowered;
	s2 =	sadd.s32 s2, s4;
	[dreg:$0x0] =	wrdreg $0x0  }
0xa8: {  	s4 =	sshll.u32 s28, $0x1;
	[dreg:$0x2] =	wrdreg s2  }
0xa9: {  	[dreg:$0x3] =	wrdreg s4  }
0xaa: {  	[dreg:$0x4] =	wrdreg $0xC0  }
0xab: {  	_ =	task [dreg:s6], $0x5FFFF  }
0xac: {  	[dreg:$0x1] =	wrdreg $0xFFFFFFFF  }
0xad: {  	[dreg:$0x0] =	wrdreg $0x60  }
0xae: {  	[dreg:$0x2] =	wrdreg s24  }
0xaf: {  	[dreg:$0x3] =	wrdreg $0x9  }
0xb0: {  	_ =	task.clear_ibuf [dreg:s6], $0x4FFFF;
	_ =	strace $0x90000046  }
0xb1: {  	s29 =	simm.s32 $0x9;
	_ =	strace $0x80000048  }
0xb2: {  	_ =	swait.ge [sflag:s29], $0x1  }
0xb3: {  	[sflag:s29] =	ssyncadd.s32 $0xFFFFFFFF  }
0xb4: {  	_ =	strace $0x90000048  }
0xb5: {  	_ =	sfence  }
0xb6: {  	s30 =	sld [smem:$0x0];
	_ =	sdelay $0x2  }
0xb7: {  	s31 =	sshll.u32 s1, $0xD;
	s1 =	sshrl.u32 s1, $0x2  }
0xb8: {  	s3 =	sand.u32 $0x4000, s31;
	s1 =	sadd.s32 s1, s30  }
0xb9: {  	s0 =	sor.u32 s3, s0;
	s1 =	sshll.u32 s1, $0x11  }
0xba: {  	s0 =	sor.u32 s1, s0  }
0xbb: {  	s0 =	sadd.s32 $0x8F2B, s0  }
0xbc: {  	[sflag:s0] =	ssyncadd.remote.s32 $0x1  }
0xbd: {  	_ =	sfence.sel $0xFFFF  }
0xbe: {  	[dreg:$0x0] =	wrdreg $0xFFFFFFFF;
	(pc) =	sbr.abs _section_cstart, $3  }
0xbf: {  	[dreg:$0x1] =	wrdreg $0xFFFFFFFF  }
0xc0: {  	_ =	task.clear_ibuf [dreg:s6], $0x2FFFF;
	_ =	strace $0x9FFFFFFF  }
0xc1: {  	(tm) =	ssettm $0x7FFFFFFF  }
tec
execute0_lowered:
.L_overlay_start_1:
0x0: {  	(tag) =	ssettag $0x1  }
0x1: {  	s1 =	srdreg.scid  }
0x2: {  	s0 =	stileid.u32;
	s4 =	rddreg [dreg:$0x0];
	s2 =	simm.s32 $0x0  }
0x3: {  	s8 =	simm.s32 $0xC80;
	s3 =	sand.u32 $0x1, s1;
	s30 =	sshll.u32 s0, $0x1  }
0x4: {  	s9 =	simm.s32 $0x1900;
	s10 =	simm.s32 $0x0;
	s5 =	sor.u32 s3, s30  }
0x5: {  	s1 =	rddreg [dreg:$0x1];
	s3 =	ssub.s32 $0x2, s3;
	s6 =	smul.u32 $0x190, s5  }
0x6: {  	[smem:$0x7FF] =	sst s2;
	s5 =	smul.u32 $0x4B0, s5;
	s31 =	sshrl.u32 s3, $0x1  }
0x7: {  	_ =	strace $0x80000047;
	s7 =	ssub.s32 s3, s31;
	s6 =	sadd.s32 s6, s4  }
0x8: {  	s5 =	sadd.s32 s5, s4;
	s3 =	sadd.s32 $0x2400, s6;
	s4 =	sadd.s32 $0x5600, s6  }
0x9: {  	s5 =	sadd.s32 $0x8800, s5;
	s6 =	smax.u32 s7, $0x1;
	s7 =	simm.s32 $0x1  }
.LBB2_1:
0xa: {  	[tilespmem:s2], [sflag:$0x1] =	stream.linear.gather [hbm4b:s3+s2], $0xC80, $0x38;
	[tilespmem:$0x3E80] =	vst v63  }
0xb: {  	_ =	swait.ge [sflag:s7], $0xC80  }
0xc: {  	[sflag:s7] =	ssyncset.done $0x0  }
0xd: {  	[sflag:s7] =	ssyncadd.s32 $0xFFFFF380  }
0xe: {  	[tilespmem:s8], [sflag:$0x1] =	stream.linear.gather [hbm4b:s4+s2], $0xC80, $0x38;
	[tilespmem:$0x3E80] =	vst v63  }
0xf: {  	_ =	swait.ge [sflag:s7], $0xC80  }
0x10: {  	[sflag:s7] =	ssyncset.done $0x0  }
0x11: {  	s12 =	simm.s32 $0x0;
	[sflag:s7] =	ssyncadd.s32 $0xFFFFF380  }
.LBB2_2:
0x12: {  	s11 =	sshll.u32 s12, $0x4  }
0x13: {  	v0 =	vld [tilespmem:s11+$0x0]  }
0x14: {  	s13 =	simm.s32 $0x20;
	v1 =	vld [tilespmem:s11+$0xC80]  }
0x15: {  	s14 =	simm.s32 $0xCA0;
	v2 =	vld [tilespmem:s13+$0xFFFFFFE0]  }
0x16: {  	v3 =	vld [tilespmem:s14+$0xFFFFFFF0]  }
0x17: {  	v4 =	vld [tilespmem:s14+$0xFFFFFFE0]  }
0x18: {  	v5 =	vld [tilespmem:s13+$0xFFFFFFF0]  }
0x19: {  	v6 =	vld [tilespmem:s14+$0x0]  }
0x1a: {  	v8 =	vld [tilespmem:s14+$0x10]  }
0x1b: {  	v9 =	vld [tilespmem:s13+$0x10]  }
0x1c: {  	s26 =	simm.s32 $0xCE0;
	v7 =	vld [tilespmem:s13+$0x0]  }
0x1d: {  	v13 =	vld [tilespmem:s26+$0xFFFFFFF0];
	v2 =	vsub.f32 v0, v2;
	v4 =	vsub.f32 v1, v4  }
0x1e: {  	v11 =	vimm.f32 $0.0e+00;
	v3 =	vsub.f32 v1, v3;
	v5 =	vsub.f32 v0, v5  }
0x1f: {  	v6 =	vsub.f32 v1, v6;
	v2 =	vmul.f32 v2, v2;
	v4 =	vmul.f32 v4, v4  }
0x20: {  	v8 =	vsub.f32 v1, v8;
	v9 =	vsub.f32 v0, v9;
	v3 =	vmul.f32 v3, v3  }
0x21: {  	p0 =	seq.s32 s12, $0x0;
	s25 =	simm.s32 $0x60;
	s13 =	simm.f32 $1.000000000e+09;
	v5 =	vmul.f32 v5, v5;
	v2 =	vadd.f32 v4, v2;
	v4 =	vsub.f32 v0, v7  }
0x22: {  	s13 =	simm.s32 @!p0 $0x0;
	v13 =	vsub.f32 v1, v13;
	v6 =	vmul.f32 v6, v6;
	v9 =	vmul.f32 v9, v9;
	v7 =	vld [tilespmem:s25+$0xFFFFFFE0]  }
0x23: {  	s15 =	simm.f32 $1.000000000e+09;
	s28 =	simm.s32 $0x0;
	p0 =	seq.s32 s12, $0x1;
	v3 =	vadd.f32 v3, v5;
	v2 =	vadd.f32 s13, v2;
	v4 =	vmul.f32 v4, v4  }
0x24: {  	s15 =	simm.s32 @!p0 $0x0;
	v8 =	vmul.f32 v8, v8;
	v13 =	vmul.f32 v13, v13;
	v5 =	vimm.f32 $+Inf;
	s13 =	scvt.s32.f32 s28  }
0x25: {  	s16 =	simm.f32 $1.000000000e+09;
	v10 =	vld [tilespmem:s26+$0x0];
	p0 =	seq.s32 s12, $0x2;
	v3 =	vadd.f32 s15, v3;
	vm1 =	vlt.f32 v2, v5;
	v4 =	vadd.f32 v6, v4  }
0x26: {  	v16 =	vld [tilespmem:s26+$0xFFFFFFE0];
	s16 =	simm.s32 @!p0 $0x0;
	v12 =	vsel vm1, v2, v5;
	v14 =	vnsel vm1, s13, v11;
	v2 =	vsel vm1, v5, v2  }
0x27: {  	v6 =	vld [tilespmem:s25+$0x0];
	v7 =	vsub.f32 v0, v7;
	vm0 =	vlt.f32 v3, v12;
	v17 =	vadd.f32 s16, v4  }
0x28: {  	p0 =	seq.s32 s12, $0x3;
	v4 =	vadd.f32 v8, v9;
	s16 =	simm.f32 $1.000000000e+09;
	v15 =	vsel vm0, v3, v12;
	v9 =	vsel vm0, v12, v3  }
0x29: {  	s29 =	simm.s32 $0x1;
	v8 =	vld [tilespmem:s25+$0xFFFFFFF0];
	s16 =	simm.s32 @!p0 $0x0;
	v12 =	vsel vm1, v2, v5;
	v5 =	vmul.f32 v7, v7;
	vm2 =	vlt.f32 v17, v15  }
0x2a: {  	s30 =	scvt.s32.f32 s29;
	v2 =	vadd.f32 s16, v4;
	v4 =	vsub.f32 v1, v10;
	v10 =	vsel vm1, v14, v11  }
0x2b: {  	v11 =	vsel vm1, s13, v11;
	v14 =	vsub.f32 v1, v16;
	vm1 =	vlt.f32 v3, v12  }
0x2c: {  	v6 =	vsub.f32 v0, v6;
	v16 =	vnsel vm0, s30, v11;
	v18 =	vsel vm2, v15, v17  }
0x2d: {  	v15 =	vsel vm2, v17, v15;
	v20 =	vsel vm1, v9, v12;
	v14 =	vmul.f32 v14, v14  }
0x2e: {  	s31 =	simm.s32 $0x2;
	v4 =	vmul.f32 v4, v4;
	vm3 =	vlt.f32 v17, v20;
	v8 =	vsub.f32 v0, v8  }
0x2f: {  	s16 =	scvt.s32.f32 s31;
	v7 =	vmul.f32 v6, v6;
	v6 =	vnsel vm1, s30, v10;
	v5 =	vadd.f32 v14, v5  }
0x30: {  	s18 =	simm.f32 $1.000000000e+09;
	v21 =	vld [tilespmem:s26+$0x10];
	p0 =	seq.s32 s12, $0x4;
	v14 =	vsel vm1, v12, v3;
	v19 =	vsel vm1, v6, v10;
	v10 =	vsel vm1, v16, v10  }
0x31: {  	s18 =	simm.s32 @!p0 $0x0;
	v8 =	vmul.f32 v8, v8;
	v14 =	vsel vm1, v14, v12;
	v24 =	vnsel vm3, s16, v10  }
0x32: {  	s17 =	simm.s32 $0x3;
	v5 =	vadd.f32 s18, v5;
	vm4 =	vlt.f32 v17, v14;
	v17 =	vsel vm3, v20, v17  }
0x33: {  	s19 =	simm.f32 $1.000000000e+09;
	s20 =	scvt.s32.f32 s17;
	v23 =	vld [tilespmem:s25+$0x10];
	p0 =	seq.s32 s12, $0x5;
	v3 =	vadd.f32 v13, v8;
	v8 =	vsel vm0, s30, v11;
	vm0 =	vlt.f32 v2, v15  }
0x34: {  	s19 =	simm.s32 @!p0 $0x0;
	v11 =	vsel vm2, s16, v8;
	v22 =	vsel vm0, v2, v15;
	v13 =	vsel vm0, v15, v2  }
0x35: {  	s13 =	simm.s32 $0x4;
	v15 =	vsub.f32 v1, v21;
	v3 =	vadd.f32 s19, v3;
	v6 =	vsel vm0, s20, v11  }
0x36: {  	s15 =	scvt.s32.f32 s13;
	vm1 =	vlt.f32 v5, v22;
	v12 =	vnsel vm0, s20, v11;
	v11 =	vsel vm4, v17, v14  }
0x37: {  	v17 =	vsel vm3, v18, v20;
	v18 =	vnsel vm2, s16, v8;
	v14 =	vsel vm4, v24, v19  }
0x38: {  	v20 =	vsub.f32 v0, v23;
	v9 =	vnsel vm1, s15, v6;
	v16 =	vsel vm1, v5, v22  }
0x39: {  	s14 =	simm.s32 $0x5;
	vm2 =	vlt.f32 v2, v17;
	v19 =	vsel vm3, v18, v10;
	vm0 =	vlt.f32 v3, v16  }
0x3a: {  	s17 =	simm.s32 $0xD20;
	s18 =	simm.s32 $0xA0;
	s16 =	simm.s32 $0x8;
	v10 =	vsel vm1, v22, v5;
	v18 =	vnsel vm2, s20, v19;
	v8 =	vsel vm0, v3, v16  }
.LBB2_3:
0x3b: {  	p0 =	slt.u32 s16, $0x60  }
0x3c: {  	v21 =	vld [tilespmem:s18+$0xFFFFFFE0];
	v16 =	vsel vm0, v16, v3;
	v4 =	vadd.f32 v4, v7;
	s19 =	sadd.s32 $0x2, s13;
	v7 =	vsel vm2, v17, v2;
	s21 =	smov.u32 s16;
	s16 =	sadd.s32 $0x4, s16  }
0x3d: {  	v13 =	vsel vm2, v13, v17;
	v12 =	vsel vm2, v12, v19;
	s20 =	simm.f32 $1.000000000e+09;
	v22 =	vld [tilespmem:s17+$0x10];
	p1 =	seq.s32 s12, s19;
	v20 =	vmul.f32 v20, v20  }
0x3e: {  	v15 =	vmul.f32 v15, v15;
	vm2 =	vlt.f32 v2, v11;
	v17 =	vld [tilespmem:s17+$0x0];
	s20 =	simm.s32 @!p1 $0x0  }
0x3f: {  	v7 =	vsel vm2, v7, v11;
	v11 =	vsel vm2, v18, v14;
	v19 =	vld [tilespmem:s18+$0x0];
	v23 =	vadd.f32 s20, v4;
	s20 =	sadd.s32 $0x3, s13;
	s13 =	smov.u32 s21  }
0x40: {  	vm3 =	vlt.f32 v5, v7;
	v2 =	vadd.f32 v15, v20;
	s21 =	simm.f32 $1.000000000e+09;
	v14 =	vld [tilespmem:s17+$0xFFFFFFF0];
	p1 =	seq.s32 s12, s20  }
0x41: {  	vm4 =	vlt.f32 v5, v13;
	v15 =	vld [tilespmem:s17+$0xFFFFFFE0];
	v4 =	vsub.f32 v0, v21;
	vm2 =	vlt.f32 v23, v8;
	s21 =	simm.s32 @!p1 $0x0  }
0x42: {  	v5 =	vsel vm4, v13, v5;
	v10 =	vsel vm4, v10, v13;
	v18 =	vld [tilespmem:s18+$0xFFFFFFF0];
	v2 =	vadd.f32 s21, v2  }
0x43: {  	v9 =	vsel vm4, v9, v12;
	v13 =	vmul.f32 v4, v4;
	v4 =	vsub.f32 v1, v17  }
0x44: {  	v6 =	vsel vm1, s15, v6;
	v12 =	vnsel vm4, s15, v12;
	v17 =	vsub.f32 v0, v19  }
0x45: {  	s15 =	scvt.s32.f32 s14;
	v11 =	vsel vm3, v12, v11;
	vm1 =	vlt.f32 v3, v10;
	v4 =	vmul.f32 v4, v4  }
0x46: {  	v14 =	vsub.f32 v1, v14;
	v12 =	vsub.f32 v1, v15;
	v15 =	vsel vm3, v5, v7  }
0x47: {  	v7 =	vmul.f32 v17, v17;
	v17 =	vnsel vm1, s15, v9;
	v5 =	vsub.f32 v0, v18  }
0x48: {  	v14 =	vmul.f32 v14, v14;
	vm3 =	vlt.f32 v3, v15;
	v12 =	vmul.f32 v12, v12  }
0x49: {  	s19 =	scvt.s32.f32 s19;
	v19 =	vsel vm2, v8, v23;
	v18 =	vnsel vm0, s15, v6;
	v5 =	vmul.f32 v5, v5  }
0x4a: {  	s14 =	sadd.s32 $0x1, s13;
	p1 =	seq.s32 s12, s13;
	s21 =	simm.f32 $1.000000000e+09;
	v8 =	vsel vm2, v23, v8;
	v12 =	vadd.f32 v12, v13;
	v13 =	vsel vm1, v10, v3  }
0x4b: {  	v20 =	vsel vm0, s15, v6;
	s21 =	simm.s32 @!p1 $0x0;
	p1 =	seq.s32 s12, s14;
	s15 =	simm.f32 $1.000000000e+09;
	v3 =	vadd.f32 v14, v5;
	v14 =	vsel vm3, v17, v11  }
0x4c: {  	s20 =	scvt.s32.f32 s20;
	s15 =	simm.s32 @!p1 $0x0;
	v18 =	vsel vm1, v18, v9;
	v11 =	vsel vm2, s19, v20;
	v5 =	vadd.f32 s21, v12  }
0x4d: {  	vm0 =	vlt.f32 v2, v8;
	v10 =	vsel vm1, v16, v10;
	v3 =	vadd.f32 s15, v3  }
0x4e: {  	v21 =	vsel vm0, v2, v8;
	v15 =	vsel vm3, v13, v15;
	v6 =	vsel vm0, s20, v11;
	s15 =	scvt.s32.f32 s13  }
0x4f: {  	vm3 =	vlt.f32 v23, v10;
	vm4 =	vlt.f32 v23, v15;
	vm1 =	vlt.f32 v5, v21  }
0x50: {  	v17 =	vsel vm3, v10, v23;
	v9 =	vnsel vm1, s15, v6;
	v16 =	vsel vm1, v5, v21;
	v24 =	vld [tilespmem:s18+$0x10]  }
.Ltmp0:
0x51: {  	v13 =	vsel vm0, v8, v2;
	v23 =	vnsel vm3, s19, v18;
	v12 =	vnsel vm0, s20, v11;
	(pc) =	sbr.rel @p0 .LBB2_3-.Ltmp0, $4  }
0x52: {  	v11 =	vsel vm4, v17, v15;
	v17 =	vsel vm3, v19, v10;
	vm0 =	vlt.f32 v3, v16  }
0x53: {  	v15 =	vsub.f32 v1, v22;
	v10 =	vnsel vm2, s19, v20;
	vm2 =	vlt.f32 v2, v17  }
0x54: {  	v14 =	vsel vm4, v23, v14;
	v19 =	vsel vm3, v10, v18;
	v8 =	vsel vm0, v3, v16  }
0x55: {  	s17 =	sadd.s32 $0x40, s17;
	v10 =	vsel vm1, v21, v5;
	v18 =	vnsel vm2, s20, v19;
	s18 =	sadd.s32 $0x40, s18;
	v20 =	vsub.f32 v0, v24  }
0x56: {  	v0 =	vsel vm0, v16, v3  }
0x57: {  	v1 =	vadd.f32 v4, v7;
	v47 =	vsel vm2, v17, v2;
	v13 =	vsel vm2, v13, v17  }
0x58: {  	v15 =	vmul.f32 v15, v15;
	vm3 =	vlt.f32 v2, v11;
	v49 =	vsel vm2, v12, v19  }
0x59: {  	v6 =	vsel vm1, s15, v6;
	v48 =	vmul.f32 v20, v20;
	v4 =	vsel vm3, v47, v11  }
0x5a: {  	s16 =	sadd.s32 $0x2, s13;
	s14 =	scvt.s32.f32 s14;
	v50 =	vsel vm3, v18, v14;
	vm9 =	vlt.f32 v5, v13;
	vm4 =	vlt.f32 v5, v4  }
0x5b: {  	s17 =	simm.f32 $1.000000000e+09;
	p0 =	seq.s32 s12, s16;
	v51 =	vsel vm9, v13, v5;
	v10 =	vsel vm9, v10, v13;
	v9 =	vsel vm9, v9, v49  }
0x5c: {  	s17 =	simm.s32 @!p0 $0x0;
	v2 =	vnsel vm9, s15, v49;
	v53 =	vnsel vm0, s14, v6;
	v6 =	vsel vm0, s14, v6  }
0x5d: {  	s29 =	sadd.s32 $0x3, s13;
	v1 =	vadd.f32 s17, v1;
	v7 =	vadd.f32 v15, v48;
	vm11 =	vlt.f32 v3, v10  }
0x5e: {  	p0 =	seq.s32 s12, s29;
	s17 =	simm.f32 $1.000000000e+09;
	v2 =	vsel vm4, v2, v50;
	v4 =	vsel vm4, v51, v4;
	v52 =	vnsel vm11, s14, v9  }
0x5f: {  	s17 =	simm.s32 @!p0 $0x0;
	vm12 =	vlt.f32 v3, v4;
	v55 =	vsel vm11, v10, v3;
	v57 =	vsel vm11, v53, v9  }
0x60: {  	s30 =	scvt.s32.f32 s16;
	v0 =	vsel vm11, v0, v10;
	vm10 =	vlt.f32 v1, v8;
	v7 =	vadd.f32 s17, v7  }
0x61: {  	v2 =	vsel vm12, v52, v2;
	v3 =	vsel vm12, v55, v4;
	vm1 =	vlt.f32 v1, v0  }
0x62: {  	v54 =	vsel vm10, v8, v1;
	v56 =	vsel vm10, v1, v8;
	v58 =	vsel vm10, s30, v6  }
0x63: {  	s12 =	sadd.s32 $0x1, s12;
	vm3 =	vlt.f32 v1, v3;
	v1 =	vsel vm1, v0, v1;
	v60 =	vnsel vm1, s30, v57  }
0x64: {  	s13 =	scvt.s32.f32 s29;
	p0 =	sne.s32 s12, $0x64;
	v61 =	vnsel vm10, s30, v6;
	vm13 =	vlt.f32 v7, v56;
	v1 =	vsel vm3, v1, v3  }
.Ltmp1:
0x65: {  	v0 =	vsel vm1, v54, v0;
	v62 =	vsel vm3, v60, v2;
	v63 =	vsel vm1, v61, v57;
	(pc) =	sbr.rel @p0 .LBB2_2-.Ltmp1, $4  }
0x66: {  	v59 =	vsel vm13, s13, v58;
	v9 =	vnsel vm13, s13, v58;
	vm14 =	vlt.f32 v7, v0  }
0x67: {  	vm15 =	vlt.f32 v7, v1;
	v3 =	vnsel vm14, s13, v63;
	v2 =	vsel vm14, v9, v63;
	[tilespmem:s11+$0x1900] =	vst v59  }
0x68: {  	s31 =	sand.u32 $0x7F0, s11;
	v0 =	vsel vm15, v3, v62;
	[tilespmem:s11+$0x1F40] =	vst v2  }
0x69: {  	s11 =	simm.s32 $0x0;
	[tilespmem:s31+$0x2580] =	vst v0  }
0x6a: {  	s12 =	simm.s32 $0x0  }
.LBB2_6:
0x6b: {  	s13 =	sshll.u32 s12, $0x4  }
0x6c: {  	v0 =	vld [tilespmem:s13+$0x640]  }
0x6d: {  	s14 =	simm.s32 $0x670;
	v1 =	vld [tilespmem:s13+$0x12C0]  }
0x6e: {  	s15 =	simm.s32 $0x12F0;
	v2 =	vld [tilespmem:s14+$0xFFFFFFD0]  }
0x6f: {  	v3 =	vld [tilespmem:s15+$0xFFFFFFE0]  }
0x70: {  	v4 =	vld [tilespmem:s15+$0xFFFFFFD0]  }
0x71: {  	v5 =	vld [tilespmem:s14+$0xFFFFFFE0]  }
0x72: {  	v6 =	vld [tilespmem:s15+$0xFFFFFFF0]  }
0x73: {  	v8 =	vld [tilespmem:s15+$0x0]  }
0x74: {  	v9 =	vld [tilespmem:s14+$0x0]  }
0x75: {  	s26 =	simm.s32 $0x1330;
	v7 =	vld [tilespmem:s14+$0xFFFFFFF0]  }
0x76: {  	v13 =	vld [tilespmem:s26+$0xFFFFFFE0];
	v2 =	vsub.f32 v0, v2;
	v4 =	vsub.f32 v1, v4  }
0x77: {  	v11 =	vimm.f32 $0.0e+00;
	v3 =	vsub.f32 v1, v3;
	v5 =	vsub.f32 v0, v5  }
0x78: {  	v6 =	vsub.f32 v1, v6;
	v2 =	vmul.f32 v2, v2;
	v4 =	vmul.f32 v4, v4  }
0x79: {  	v8 =	vsub.f32 v1, v8;
	v9 =	vsub.f32 v0, v9;
	v3 =	vmul.f32 v3, v3  }
0x7a: {  	p0 =	seq.s32 s12, $0x0;
	s25 =	simm.s32 $0x6B0;
	s14 =	simm.f32 $1.000000000e+09;
	v5 =	vmul.f32 v5, v5;
	v2 =	vadd.f32 v4, v2;
	v4 =	vsub.f32 v0, v7  }
0x7b: {  	s14 =	simm.s32 @!p0 $0x0;
	v13 =	vsub.f32 v1, v13;
	v6 =	vmul.f32 v6, v6;
	v9 =	vmul.f32 v9, v9;
	v7 =	vld [tilespmem:s25+$0xFFFFFFD0]  }
0x7c: {  	s16 =	simm.f32 $1.000000000e+09;
	p0 =	seq.s32 s12, $0x1;
	v3 =	vadd.f32 v3, v5;
	v2 =	vadd.f32 s14, v2;
	v4 =	vmul.f32 v4, v4  }
0x7d: {  	s28 =	scvt.s32.f32 s11;
	s16 =	simm.s32 @!p0 $0x0;
	v8 =	vmul.f32 v8, v8;
	v13 =	vmul.f32 v13, v13;
	v5 =	vimm.f32 $+Inf  }
0x7e: {  	s17 =	simm.f32 $1.000000000e+09;
	v10 =	vld [tilespmem:s26+$0xFFFFFFF0];
	p0 =	seq.s32 s12, $0x2;
	v3 =	vadd.f32 s16, v3;
	vm1 =	vlt.f32 v2, v5;
	v4 =	vadd.f32 v6, v4  }
0x7f: {  	v16 =	vld [tilespmem:s26+$0xFFFFFFD0];
	s17 =	simm.s32 @!p0 $0x0;
	v12 =	vsel vm1, v2, v5;
	v14 =	vnsel vm1, s28, v11;
	v2 =	vsel vm1, v5, v2  }
0x80: {  	v6 =	vld [tilespmem:s25+$0xFFFFFFF0];
	v7 =	vsub.f32 v0, v7;
	vm0 =	vlt.f32 v3, v12;
	v17 =	vadd.f32 s17, v4  }
0x81: {  	p0 =	seq.s32 s12, $0x3;
	v4 =	vadd.f32 v8, v9;
	s17 =	simm.f32 $1.000000000e+09;
	v15 =	vsel vm0, v3, v12;
	v9 =	vsel vm0, v12, v3  }
0x82: {  	s29 =	simm.s32 $0x1;
	v8 =	vld [tilespmem:s25+$0xFFFFFFE0];
	s17 =	simm.s32 @!p0 $0x0;
	v12 =	vsel vm1, v2, v5;
	v5 =	vmul.f32 v7, v7;
	vm2 =	vlt.f32 v17, v15  }
0x83: {  	s30 =	scvt.s32.f32 s29;
	v2 =	vadd.f32 s17, v4;
	v4 =	vsub.f32 v1, v10;
	v10 =	vsel vm1, v14, v11  }
0x84: {  	v11 =	vsel vm1, s28, v11;
	v14 =	vsub.f32 v1, v16;
	vm1 =	vlt.f32 v3, v12  }
0x85: {  	v6 =	vsub.f32 v0, v6;
	v16 =	vnsel vm0, s30, v11;
	v18 =	vsel vm2, v15, v17  }
0x86: {  	v15 =	vsel vm2, v17, v15;
	v20 =	vsel vm1, v9, v12;
	v14 =	vmul.f32 v14, v14  }
0x87: {  	s31 =	simm.s32 $0x2;
	v4 =	vmul.f32 v4, v4;
	vm3 =	vlt.f32 v17, v20;
	v8 =	vsub.f32 v0, v8  }
0x88: {  	s17 =	scvt.s32.f32 s31;
	v7 =	vmul.f32 v6, v6;
	v6 =	vnsel vm1, s30, v10;
	v5 =	vadd.f32 v14, v5  }
0x89: {  	s19 =	simm.f32 $1.000000000e+09;
	v21 =	vld [tilespmem:s26+$0x0];
	p0 =	seq.s32 s12, $0x4;
	v14 =	vsel vm1, v12, v3;
	v19 =	vsel vm1, v6, v10;
	v10 =	vsel vm1, v16, v10  }
0x8a: {  	s19 =	simm.s32 @!p0 $0x0;
	v8 =	vmul.f32 v8, v8;
	v14 =	vsel vm1, v14, v12;
	v24 =	vnsel vm3, s17, v10  }
0x8b: {  	s18 =	simm.s32 $0x3;
	v5 =	vadd.f32 s19, v5;
	vm4 =	vlt.f32 v17, v14;
	v17 =	vsel vm3, v20, v17  }
0x8c: {  	s20 =	simm.f32 $1.000000000e+09;
	s21 =	scvt.s32.f32 s18;
	v23 =	vld [tilespmem:s25+$0x0];
	p0 =	seq.s32 s12, $0x5;
	v3 =	vadd.f32 v13, v8;
	v8 =	vsel vm0, s30, v11;
	vm0 =	vlt.f32 v2, v15  }
0x8d: {  	s20 =	simm.s32 @!p0 $0x0;
	v11 =	vsel vm2, s17, v8;
	v22 =	vsel vm0, v2, v15;
	v13 =	vsel vm0, v15, v2  }
0x8e: {  	s14 =	simm.s32 $0x4;
	v15 =	vsub.f32 v1, v21;
	v3 =	vadd.f32 s20, v3;
	v6 =	vsel vm0, s21, v11  }
0x8f: {  	s16 =	scvt.s32.f32 s14;
	vm1 =	vlt.f32 v5, v22;
	v12 =	vnsel vm0, s21, v11;
	v11 =	vsel vm4, v17, v14  }
0x90: {  	v17 =	vsel vm3, v18, v20;
	v18 =	vnsel vm2, s17, v8;
	v14 =	vsel vm4, v24, v19  }
0x91: {  	v20 =	vsub.f32 v0, v23;
	v9 =	vnsel vm1, s16, v6;
	v16 =	vsel vm1, v5, v22  }
0x92: {  	s15 =	simm.s32 $0x5;
	vm2 =	vlt.f32 v2, v17;
	v19 =	vsel vm3, v18, v10;
	vm0 =	vlt.f32 v3, v16  }
0x93: {  	s18 =	simm.s32 $0x1370;
	s19 =	simm.s32 $0x6F0;
	s17 =	simm.s32 $0x8;
	v10 =	vsel vm1, v22, v5;
	v18 =	vnsel vm2, s21, v19;
	v8 =	vsel vm0, v3, v16  }
.LBB2_7:
0x94: {  	p0 =	slt.u32 s17, $0x60  }
0x95: {  	v21 =	vld [tilespmem:s19+$0xFFFFFFD0];
	v16 =	vsel vm0, v16, v3;
	v4 =	vadd.f32 v4, v7;
	s20 =	sadd.s32 $0x2, s14;
	v7 =	vsel vm2, v17, v2;
	s22 =	smov.u32 s17;
	s17 =	sadd.s32 $0x4, s17  }
0x96: {  	v13 =	vsel vm2, v13, v17;
	v12 =	vsel vm2, v12, v19;
	s21 =	simm.f32 $1.000000000e+09;
	v22 =	vld [tilespmem:s18+$0x0];
	p1 =	seq.s32 s12, s20;
	v20 =	vmul.f32 v20, v20  }
0x97: {  	v15 =	vmul.f32 v15, v15;
	vm2 =	vlt.f32 v2, v11;
	v17 =	vld [tilespmem:s18+$0xFFFFFFF0];
	s21 =	simm.s32 @!p1 $0x0  }
0x98: {  	v7 =	vsel vm2, v7, v11;
	v11 =	vsel vm2, v18, v14;
	v19 =	vld [tilespmem:s19+$0xFFFFFFF0];
	v23 =	vadd.f32 s21, v4;
	s21 =	sadd.s32 $0x3, s14;
	s14 =	smov.u32 s22  }
0x99: {  	vm3 =	vlt.f32 v5, v7;
	v2 =	vadd.f32 v15, v20;
	s22 =	simm.f32 $1.000000000e+09;
	v14 =	vld [tilespmem:s18+$0xFFFFFFE0];
	p1 =	seq.s32 s12, s21  }
0x9a: {  	vm4 =	vlt.f32 v5, v13;
	v15 =	vld [tilespmem:s18+$0xFFFFFFD0];
	v4 =	vsub.f32 v0, v21;
	vm2 =	vlt.f32 v23, v8;
	s22 =	simm.s32 @!p1 $0x0  }
0x9b: {  	v5 =	vsel vm4, v13, v5;
	v10 =	vsel vm4, v10, v13;
	v18 =	vld [tilespmem:s19+$0xFFFFFFE0];
	v2 =	vadd.f32 s22, v2  }
0x9c: {  	v9 =	vsel vm4, v9, v12;
	v13 =	vmul.f32 v4, v4;
	v4 =	vsub.f32 v1, v17  }
0x9d: {  	v6 =	vsel vm1, s16, v6;
	v12 =	vnsel vm4, s16, v12;
	v17 =	vsub.f32 v0, v19  }
0x9e: {  	s16 =	scvt.s32.f32 s15;
	v11 =	vsel vm3, v12, v11;
	vm1 =	vlt.f32 v3, v10;
	v4 =	vmul.f32 v4, v4  }
0x9f: {  	v14 =	vsub.f32 v1, v14;
	v12 =	vsub.f32 v1, v15;
	v15 =	vsel vm3, v5, v7  }
0xa0: {  	v7 =	vmul.f32 v17, v17;
	v17 =	vnsel vm1, s16, v9;
	v5 =	vsub.f32 v0, v18  }
0xa1: {  	v14 =	vmul.f32 v14, v14;
	vm3 =	vlt.f32 v3, v15;
	v12 =	vmul.f32 v12, v12  }
0xa2: {  	s20 =	scvt.s32.f32 s20;
	v19 =	vsel vm2, v8, v23;
	v18 =	vnsel vm0, s16, v6;
	v5 =	vmul.f32 v5, v5  }
0xa3: {  	s15 =	sadd.s32 $0x1, s14;
	p1 =	seq.s32 s12, s14;
	s22 =	simm.f32 $1.000000000e+09;
	v8 =	vsel vm2, v23, v8;
	v12 =	vadd.f32 v12, v13;
	v13 =	vsel vm1, v10, v3  }
0xa4: {  	v20 =	vsel vm0, s16, v6;
	s22 =	simm.s32 @!p1 $0x0;
	p1 =	seq.s32 s12, s15;
	s16 =	simm.f32 $1.000000000e+09;
	v3 =	vadd.f32 v14, v5;
	v14 =	vsel vm3, v17, v11  }
0xa5: {  	s21 =	scvt.s32.f32 s21;
	s16 =	simm.s32 @!p1 $0x0;
	v18 =	vsel vm1, v18, v9;
	v11 =	vsel vm2, s20, v20;
	v5 =	vadd.f32 s22, v12  }
0xa6: {  	vm0 =	vlt.f32 v2, v8;
	v10 =	vsel vm1, v16, v10;
	v3 =	vadd.f32 s16, v3  }
0xa7: {  	v21 =	vsel vm0, v2, v8;
	v15 =	vsel vm3, v13, v15;
	v6 =	vsel vm0, s21, v11;
	s16 =	scvt.s32.f32 s14  }
0xa8: {  	vm3 =	vlt.f32 v23, v10;
	vm4 =	vlt.f32 v23, v15;
	vm1 =	vlt.f32 v5, v21  }
0xa9: {  	v17 =	vsel vm3, v10, v23;
	v9 =	vnsel vm1, s16, v6;
	v16 =	vsel vm1, v5, v21;
	v24 =	vld [tilespmem:s19+$0x0]  }
.Ltmp2:
0xaa: {  	v13 =	vsel vm0, v8, v2;
	v23 =	vnsel vm3, s20, v18;
	v12 =	vnsel vm0, s21, v11;
	(pc) =	sbr.rel @p0 .LBB2_7-.Ltmp2, $4  }
0xab: {  	v11 =	vsel vm4, v17, v15;
	v17 =	vsel vm3, v19, v10;
	vm0 =	vlt.f32 v3, v16  }
0xac: {  	v15 =	vsub.f32 v1, v22;
	v10 =	vnsel vm2, s20, v20;
	vm2 =	vlt.f32 v2, v17  }
0xad: {  	v14 =	vsel vm4, v23, v14;
	v19 =	vsel vm3, v10, v18;
	v8 =	vsel vm0, v3, v16  }
0xae: {  	s18 =	sadd.s32 $0x40, s18;
	v10 =	vsel vm1, v21, v5;
	v18 =	vnsel vm2, s21, v19;
	s19 =	sadd.s32 $0x40, s19;
	v20 =	vsub.f32 v0, v24  }
0xaf: {  	v0 =	vsel vm0, v16, v3  }
0xb0: {  	v1 =	vadd.f32 v4, v7;
	v47 =	vsel vm2, v17, v2;
	v13 =	vsel vm2, v13, v17  }
0xb1: {  	v15 =	vmul.f32 v15, v15;
	vm3 =	vlt.f32 v2, v11;
	v49 =	vsel vm2, v12, v19  }
0xb2: {  	v6 =	vsel vm1, s16, v6;
	v48 =	vmul.f32 v20, v20;
	v4 =	vsel vm3, v47, v11  }
0xb3: {  	s17 =	sadd.s32 $0x2, s14;
	s15 =	scvt.s32.f32 s15;
	v50 =	vsel vm3, v18, v14;
	vm9 =	vlt.f32 v5, v13;
	vm4 =	vlt.f32 v5, v4  }
0xb4: {  	s18 =	simm.f32 $1.000000000e+09;
	p0 =	seq.s32 s12, s17;
	v51 =	vsel vm9, v13, v5;
	v10 =	vsel vm9, v10, v13;
	v9 =	vsel vm9, v9, v49  }
0xb5: {  	s18 =	simm.s32 @!p0 $0x0;
	v2 =	vnsel vm9, s16, v49;
	v53 =	vnsel vm0, s15, v6;
	v6 =	vsel vm0, s15, v6  }
0xb6: {  	s29 =	sadd.s32 $0x3, s14;
	v1 =	vadd.f32 s18, v1;
	v7 =	vadd.f32 v15, v48;
	vm11 =	vlt.f32 v3, v10  }
0xb7: {  	p0 =	seq.s32 s12, s29;
	s18 =	simm.f32 $1.000000000e+09;
	v2 =	vsel vm4, v2, v50;
	v4 =	vsel vm4, v51, v4;
	v52 =	vnsel vm11, s15, v9  }
0xb8: {  	s18 =	simm.s32 @!p0 $0x0;
	vm12 =	vlt.f32 v3, v4;
	v55 =	vsel vm11, v10, v3;
	v57 =	vsel vm11, v53, v9  }
0xb9: {  	s30 =	scvt.s32.f32 s17;
	v0 =	vsel vm11, v0, v10;
	vm10 =	vlt.f32 v1, v8;
	v7 =	vadd.f32 s18, v7  }
0xba: {  	v2 =	vsel vm12, v52, v2;
	v3 =	vsel vm12, v55, v4;
	vm1 =	vlt.f32 v1, v0  }
0xbb: {  	v54 =	vsel vm10, v8, v1;
	v56 =	vsel vm10, v1, v8;
	v58 =	vsel vm10, s30, v6  }
0xbc: {  	s12 =	sadd.s32 $0x1, s12;
	vm3 =	vlt.f32 v1, v3;
	v1 =	vsel vm1, v0, v1;
	v60 =	vnsel vm1, s30, v57  }
0xbd: {  	s14 =	scvt.s32.f32 s29;
	p0 =	sne.s32 s12, $0x64;
	v61 =	vnsel vm10, s30, v6;
	vm13 =	vlt.f32 v7, v56;
	v1 =	vsel vm3, v1, v3  }
.Ltmp3:
0xbe: {  	v0 =	vsel vm1, v54, v0;
	v62 =	vsel vm3, v60, v2;
	v63 =	vsel vm1, v61, v57;
	(pc) =	sbr.rel @p0 .LBB2_6-.Ltmp3, $4  }
0xbf: {  	v59 =	vsel vm13, s14, v58;
	v9 =	vnsel vm13, s14, v58;
	vm14 =	vlt.f32 v7, v0  }
0xc0: {  	s31 =	sand.u32 $0x7F0, s13;
	vm15 =	vlt.f32 v7, v1;
	v3 =	vnsel vm14, s14, v63;
	v2 =	vsel vm14, v9, v63;
	[tilespmem:s13+$0x2BC0] =	vst v59  }
0xc1: {  	v0 =	vsel vm15, v3, v62;
	[tilespmem:s31+$0x3200] =	vst v2  }
0xc2: {  	[tilespmem:s13+$0x3840] =	vst v0  }
0xc3: {  	s10 =	sadd.s32 $0x1, s10  }
0xc4: {  	p0 =	sne.s32 s10, s6  }
.Ltmp4:
0xc5: {  	_ = 	snop;
	(pc) =	sbr.rel @p0 .LBB2_1-.Ltmp4, $4  }
0xc6: {  	[hbm4b:s5+s2] =	stream.linear.scatter [tilespmem:s9], [sflag:$0x1], $0x2580, $0x38;
	[tilespmem:$0x3E80] =	vst v63  }
0xc7: {  	_ =	swait.ge [sflag:s7], $0x2580  }
0xc8: {  	[sflag:s7] =	ssyncset.done $0x0  }
0xc9: {  	[sflag:s7] =	ssyncadd.s32 $0xFFFFDA80  }
0xca: {  	_ =	sfence.sel $0x180000  }
0xcb: {  	[bflag:$0x0] =	sbarrier.arrive $0xFFFF  }
0xcc: {  	p0 =	sne.s32 s0, $0x0;
	_ =	strace $0x90000047  }
0xcd: {  	s0 =	sadd.s32 @!p0 $0x100000, s1;
	[bflag:$0x2] =	sbarrier.arrive $0xFFFF  }
0xce: {  	[sflag:s0] =	ssyncadd.tile.s32 @!p0 $0x1;
	_ =	shalt  }
.Lfunc_end2:
_tile_overlayer_lowered:
.L_overlay_start_2:
0xcf: {  	(tag) =	ssettag $0x2  }
0xd0: {  	s0 =	rddreg [dreg:$0x0];
	s2 =	stileid.u32  }
0xd1: {  	s1 =	rddreg [dreg:$0x1];
	p0 =	sne.s32 s2, $0x0  }
0xd2: {  	s3 =	rddreg [dreg:$0x2];
	[bflag:$0x3] =	sbarrier.arrive $0xFFFF;
	s2 =	simm.s32 @!p0 $0x1C01  }
0xd3: {  	[timem:s3], [sflag:s2] =	dma.local @!p0 [hbm:s0], s1  }
0xd4: {  	s0 =	simm.s32 @!p0 $0x1  }
0xd5: {  	_ =	swait.ge @!p0 [sflag:s0], s1  }
0xd6: {  	s1 =	ssub.s32 @!p0 $0x0, s1;
	[sflag:s0] =	ssyncset.done @!p0 $0x0  }
0xd7: {  	[sflag:s0] =	ssyncadd.s32 @!p0 s1  }
0xd8: {  	[bflag:$0x3] =	sbarrier.arrive $0xFFFF  }
0xd9: {  	_ =	shalt  }

</sc_bundles>
